<compile_context>
chip_gen: v7x
topology: tpu7x:2x2x1
jax: 0.10.2.dev20260603
libtpu: 0.0.44.dev20260713+nightly
codegen_flags: <defaults>
</compile_context>

<pallas_src>
import functools

import jax
import jax.numpy as jnp
from jax import lax
from jax.experimental import pallas as pl
from jax.experimental.pallas import tpu as pltpu
from jax.experimental.pallas import tpu_sc as plsc

NC = 2
NS = 16
C = 125
CW = 8
NBUF = 5


def _sc_accumulate(ei4, eu3, item2v, u_pad):
    k_chunks = eu3.shape[1]
    dh = item2v.shape[1]
    rows_per_tile = u_pad // NS
    zchunks = rows_per_tile // C

    zeros_h = jnp.zeros((C, dh), jnp.float32)
    zeros_c = jnp.zeros((C, CW), jnp.float32)
    ones_c = jnp.ones((C, CW), jnp.float32)

    mesh = plsc.VectorSubcoreMesh(core_axis_name="c", subcore_axis_name="s")

    @functools.partial(
        pl.kernel,
        mesh=mesh,
        compiler_params=pltpu.CompilerParams(use_tc_tiling_on_sc=False),
        out_type=[
            jax.ShapeDtypeStruct((NC, u_pad, dh), jnp.float32),
            jax.ShapeDtypeStruct((NC, u_pad, CW), jnp.float32),
        ],
        scratch_types=[
            pltpu.VMEM((k_chunks, C), jnp.int32),
            pltpu.VMEM((k_chunks, C), jnp.int32),
            [pltpu.VMEM((C, dh), jnp.float32)] * NBUF,
            pltpu.VMEM((C, CW), jnp.float32),
            pltpu.VMEM((C, CW), jnp.float32),
            pltpu.VMEM_SHARED((u_pad, dh), jnp.float32),
            pltpu.VMEM_SHARED((u_pad, CW), jnp.float32),
            [pltpu.SemaphoreType.DMA] * NBUF,
            [pltpu.SemaphoreType.DMA] * NBUF,
            pltpu.SemaphoreType.DMA,
        ],
    )
    def acc(ei_hbm, eu_hbm, item_hbm, z_hbm, zc_hbm, o_hbm, psums_hbm,
            pcnts_hbm, ei_v, eu_v, rows, zbuf8, ones_v, sums_sh,
            cnts_sh, gsem, ssem, csem):
        c = lax.axis_index("c")
        s = lax.axis_index("s")

        pltpu.sync_copy(z_hbm, rows[0])
        pltpu.sync_copy(zc_hbm, zbuf8)
        pltpu.sync_copy(o_hbm, ones_v)
        base = s * rows_per_tile
        for k in range(zchunks):
            pltpu.sync_copy(rows[0], sums_sh.at[pl.ds(base + k * C, C)])
            pltpu.sync_copy(zbuf8, cnts_sh.at[pl.ds(base + k * C, C)])
        pltpu.sync_copy(ei_hbm.at[c, s], ei_v)
        pltpu.sync_copy(eu_hbm.at[s], eu_v)
        plsc.subcore_barrier()

        def chunk_body(t, carry):
            j0 = t * NBUF
            gd = [pltpu.async_copy(item_hbm.at[ei_v.at[j0 + b]], rows[b],
                                   gsem[b])
                  for b in range(NBUF)]
            sd, cd = [], []
            for b in range(NBUF):
                gd[b].wait()
                sd.append(pltpu.async_copy(rows[b],
                                           sums_sh.at[eu_v.at[j0 + b]],
                                           ssem[b], add=True))
                cd.append(pltpu.async_copy(ones_v,
                                           cnts_sh.at[eu_v.at[j0 + b]],
                                           csem, add=True))
            for b in range(NBUF):
                sd[b].wait()
                cd[b].wait()
            return carry

        lax.fori_loop(0, k_chunks // NBUF, chunk_body, 0)
        plsc.subcore_barrier()

        pltpu.sync_copy(sums_sh.at[pl.ds(base, rows_per_tile)],
                        psums_hbm.at[c, pl.ds(base, rows_per_tile)])
        pltpu.sync_copy(cnts_sh.at[pl.ds(base, rows_per_tile)],
                        pcnts_hbm.at[c, pl.ds(base, rows_per_tile)])

    return acc(ei4, eu3, item2v, zeros_h, zeros_c, ones_c)


def _combine_kernel(p0, p1, c0, c1, out):
    denom = jnp.maximum((c0[:, 0:1] + c1[:, 0:1]) * 0.5, 1.0)
    out[:] = jnp.concatenate([p0[:], p1[:]], axis=1) / denom


def kernel(user_embedding, item_embedding, edge_user, edge_item):
    num_user, d = user_embedding.shape
    num_item = item_embedding.shape[0]
    dh = d // 2
    e = edge_user.shape[0]

    per_w = -(-e // NS)
    k_chunks = -(-per_w // C)
    k_chunks = -(-k_chunks // NBUF) * NBUF
    e_pad = NS * k_chunks * C
    pad = e_pad - e
    u_req = num_user + (1 if pad else 0)
    u_pad = -(-u_req // (NS * C)) * (NS * C)

    ei = edge_item.astype(jnp.int32)
    eu = edge_user.astype(jnp.int32)
    if pad:
        ei = jnp.concatenate([ei, jnp.zeros((pad,), jnp.int32)])
        eu = jnp.concatenate([eu, jnp.full((pad,), num_user, jnp.int32)])
    ei3 = ei.reshape(NS, k_chunks, C)
    eu3 = eu.reshape(NS, k_chunks, C)
    ei4 = jnp.stack([2 * ei3, 2 * ei3 + 1])
    item2v = item_embedding.reshape(2 * num_item, dh)

    psums, pcnts = _sc_accumulate(ei4, eu3, item2v, u_pad)

    blk = 2000
    grid = num_user // blk
    neighbor_feat = pl.pallas_call(
        _combine_kernel,
        grid=(grid,),
        in_specs=[
            pl.BlockSpec((blk, dh), lambda i: (i, 0)),
            pl.BlockSpec((blk, dh), lambda i: (i, 0)),
            pl.BlockSpec((blk, CW), lambda i: (i, 0)),
            pl.BlockSpec((blk, CW), lambda i: (i, 0)),
        ],
        out_specs=pl.BlockSpec((blk, d), lambda i: (i, 0)),
        out_shape=jax.ShapeDtypeStruct((num_user, d), jnp.float32),
    )(psums[0, :num_user], psums[1, :num_user],
      pcnts[0, :num_user], pcnts[1, :num_user])

    return (user_embedding, neighbor_feat)

# --- scband reference (transcript-rebuilt; emitter-appended) ---
"""Pipeline reference for scband-graph-feature-generator-44659069943979 (READ-ONLY COPY).

The authoritative reference and input builder live on the scoring server;
editing this copy changes nothing except your own understanding.
"""

import jax, jax.numpy as jnp
import numpy as np

NUM_USER = 10000
NUM_ITEM = 50000
DIM = 128
N_EDGES = 320000


def setup_inputs(seed: int = 0) -> dict:
    key = jax.random.key(seed)
    k1, k2, k3, k4 = jax.random.split(key, 4)
    user_embedding = jax.random.normal(k1, (NUM_USER, DIM), dtype=jnp.float32)
    item_embedding = jax.random.normal(k2, (NUM_ITEM, DIM), dtype=jnp.float32)
    edge_user = jax.random.randint(k3, (N_EDGES,), 0, NUM_USER, dtype=jnp.int64 if jax.config.jax_enable_x64 else jnp.int32)
    edge_item = jax.random.randint(k4, (N_EDGES,), 0, NUM_ITEM, dtype=jnp.int64 if jax.config.jax_enable_x64 else jnp.int32)
    return {
        "user_embedding": user_embedding,
        "item_embedding": item_embedding,
        "edge_user": edge_user,
        "edge_item": edge_item,
    }


def _scatter_mean(vals, idx, num_segments):
    sums = jax.ops.segment_sum(vals, idx, num_segments=num_segments)
    counts = jax.ops.segment_sum(jnp.ones((vals.shape[0],), dtype=vals.dtype), idx, num_segments=num_segments)
    counts = jnp.clip(counts, 1.0, None)
    return sums / counts[:, None]


def reference(user_embedding, item_embedding, edge_user, edge_item):
    # Fast mode (enable_user_cooccurrence=False):
    #   view1 = user ID embedding
    #   view2 = user neighbor features = scatter_mean over purchased item embeddings
    num_user = user_embedding.shape[0]
    neighbor_item_feats = item_embedding[edge_item]          # gather [E, dim]
    user_neighbor_feat = _scatter_mean(neighbor_item_feats, edge_user, num_user)  # scatter-mean [num_user, dim]
    return (user_embedding, user_neighbor_feat)

if __name__ == "__main__":
    import jax
    _d = setup_inputs()
    print(jax.jit(kernel)(*tuple(_d.values())))

</pallas_src>

<mosaic_0001>
#map = affine_map<(d0, d1) -> (0, 0, 0, 0)>
#map1 = affine_map<(d0, d1) -> (0, 0, 0)>
#map2 = affine_map<(d0, d1) -> (0, 0)>
module attributes {stable_mosaic.version = 14 : i64} {
  func.func @acc(%arg0: i32, %arg1: i32, %arg2: memref<2x16x160x125xi32, #tpu.memory_space<hbm>>, %arg3: memref<16x160x125xi32, #tpu.memory_space<hbm>>, %arg4: memref<100000x64xf32, #tpu.memory_space<hbm>>, %arg5: memref<125x64xf32, #tpu.memory_space<hbm>>, %arg6: memref<125x8xf32, #tpu.memory_space<hbm>>, %arg7: memref<125x8xf32, #tpu.memory_space<hbm>>, %arg8: memref<2x10000x64xf32, #tpu.memory_space<hbm>>, %arg9: memref<2x10000x8xf32, #tpu.memory_space<hbm>>, %arg10: memref<160x125xi32, #tpu.memory_space<vmem>>, %arg11: memref<160x125xi32, #tpu.memory_space<vmem>>, %arg12: memref<125x64xf32, #tpu.memory_space<vmem>>, %arg13: memref<125x64xf32, #tpu.memory_space<vmem>>, %arg14: memref<125x64xf32, #tpu.memory_space<vmem>>, %arg15: memref<125x64xf32, #tpu.memory_space<vmem>>, %arg16: memref<125x64xf32, #tpu.memory_space<vmem>>, %arg17: memref<125x8xf32, #tpu.memory_space<vmem>>, %arg18: memref<125x8xf32, #tpu.memory_space<vmem>>, %arg19: memref<10000x64xf32, #tpu.memory_space<vmem_shared>>, %arg20: memref<10000x8xf32, #tpu.memory_space<vmem_shared>>, %arg21: memref<!tpu.dma_semaphore, #tpu.memory_space<semaphore_mem>>, %arg22: memref<!tpu.dma_semaphore, #tpu.memory_space<semaphore_mem>>, %arg23: memref<!tpu.dma_semaphore, #tpu.memory_space<semaphore_mem>>, %arg24: memref<!tpu.dma_semaphore, #tpu.memory_space<semaphore_mem>>, %arg25: memref<!tpu.dma_semaphore, #tpu.memory_space<semaphore_mem>>, %arg26: memref<!tpu.dma_semaphore, #tpu.memory_space<semaphore_mem>>, %arg27: memref<!tpu.dma_semaphore, #tpu.memory_space<semaphore_mem>>, %arg28: memref<!tpu.dma_semaphore, #tpu.memory_space<semaphore_mem>>, %arg29: memref<!tpu.dma_semaphore, #tpu.memory_space<semaphore_mem>>, %arg30: memref<!tpu.dma_semaphore, #tpu.memory_space<semaphore_mem>>, %arg31: memref<!tpu.dma_semaphore, #tpu.memory_space<semaphore_mem>>) attributes {dimension_semantics = [#tpu.dimension_semantics<core_parallel>, #tpu.dimension_semantics<subcore_parallel>], iteration_bounds = array<i64: 2, 16>, scalar_prefetch = 0 : i64, scratch_operands = 22 : i64, tpu.core_type = #tpu.core_type<sc_vector_subcore>, window_params = [{transform_indices = #map}, {transform_indices = #map1}, {transform_indices = #map2}, {transform_indices = #map2}, {transform_indices = #map2}, {transform_indices = #map2}, {transform_indices = #map1}, {transform_indices = #map1}]} {
    "tpu.region"() ({
      %run_scoped3A = tpu.sem_alloc : memref<!tpu.dma_semaphore, #tpu.memory_space<semaphore_mem>>
      tpu.enqueue_dma source(%arg5 : memref<125x64xf32, #tpu.memory_space<hbm>>) target(%arg12 : memref<125x64xf32, #tpu.memory_space<vmem>>) target_semaphore(%run_scoped3A : memref<!tpu.dma_semaphore, #tpu.memory_space<semaphore_mem>>)
      tpu.wait_dma2 semaphore(%run_scoped3A : memref<!tpu.dma_semaphore, #tpu.memory_space<semaphore_mem>>) src(%arg5 : memref<125x64xf32, #tpu.memory_space<hbm>>) dst(%arg12 : memref<125x64xf32, #tpu.memory_space<vmem>>)
      tpu.yield
    }) : () -> ()
    "tpu.region"() ({
      %run_scoped3A = tpu.sem_alloc : memref<!tpu.dma_semaphore, #tpu.memory_space<semaphore_mem>>
      tpu.enqueue_dma source(%arg6 : memref<125x8xf32, #tpu.memory_space<hbm>>) target(%arg17 : memref<125x8xf32, #tpu.memory_space<vmem>>) target_semaphore(%run_scoped3A : memref<!tpu.dma_semaphore, #tpu.memory_space<semaphore_mem>>)
      tpu.wait_dma2 semaphore(%run_scoped3A : memref<!tpu.dma_semaphore, #tpu.memory_space<semaphore_mem>>) src(%arg6 : memref<125x8xf32, #tpu.memory_space<hbm>>) dst(%arg17 : memref<125x8xf32, #tpu.memory_space<vmem>>)
      tpu.yield
    }) : () -> ()
    "tpu.region"() ({
      %run_scoped3A = tpu.sem_alloc : memref<!tpu.dma_semaphore, #tpu.memory_space<semaphore_mem>>
      tpu.enqueue_dma source(%arg7 : memref<125x8xf32, #tpu.memory_space<hbm>>) target(%arg18 : memref<125x8xf32, #tpu.memory_space<vmem>>) target_semaphore(%run_scoped3A : memref<!tpu.dma_semaphore, #tpu.memory_space<semaphore_mem>>)
      tpu.wait_dma2 semaphore(%run_scoped3A : memref<!tpu.dma_semaphore, #tpu.memory_space<semaphore_mem>>) src(%arg7 : memref<125x8xf32, #tpu.memory_space<hbm>>) dst(%arg18 : memref<125x8xf32, #tpu.memory_space<vmem>>)
      tpu.yield
    }) : () -> ()
    %mul3A = arith.constant 625 : i32
    %mul3A_0 = arith.muli %arg1, %mul3A : i32
    %add3A = arith.constant 0 : i32
    %add3A_1 = arith.addi %mul3A_0, %add3A : i32
    "tpu.region"() ({
      %run_scoped3A = tpu.sem_alloc : memref<!tpu.dma_semaphore, #tpu.memory_space<semaphore_mem>>
      %dma_start3A = arith.constant 0 : i32
      %dma_start3A_26 = tpu.memref_slice %arg19[%add3A_1, %dma_start3A] : memref<10000x64xf32, #tpu.memory_space<vmem_shared>> -> memref<125x64xf32, #tpu.memory_space<vmem_shared>>
      %dma_start3A_27 = arith.constant 0 : i32
      %dma_start3A_28 = tpu.memref_slice %arg19[%add3A_1, %dma_start3A_27] : memref<10000x64xf32, #tpu.memory_space<vmem_shared>> -> memref<125x64xf32, #tpu.memory_space<vmem_shared>>
      tpu.enqueue_dma source(%arg12 : memref<125x64xf32, #tpu.memory_space<vmem>>) target(%dma_start3A_28 : memref<125x64xf32, #tpu.memory_space<vmem_shared>>) target_semaphore(%run_scoped3A : memref<!tpu.dma_semaphore, #tpu.memory_space<semaphore_mem>>)
      %dma_wait3A = arith.constant 0 : i32
      %dma_wait3A_29 = tpu.memref_slice %arg19[%add3A_1, %dma_wait3A] : memref<10000x64xf32, #tpu.memory_space<vmem_shared>> -> memref<125x64xf32, #tpu.memory_space<vmem_shared>>
      %dma_wait3A_30 = arith.constant 0 : i32
      %dma_wait3A_31 = tpu.memref_slice %arg19[%add3A_1, %dma_wait3A_30] : memref<10000x64xf32, #tpu.memory_space<vmem_shared>> -> memref<125x64xf32, #tpu.memory_space<vmem_shared>>
      tpu.wait_dma2 semaphore(%run_scoped3A : memref<!tpu.dma_semaphore, #tpu.memory_space<semaphore_mem>>) src(%arg12 : memref<125x64xf32, #tpu.memory_space<vmem>>) dst(%dma_wait3A_31 : memref<125x64xf32, #tpu.memory_space<vmem_shared>>)
      tpu.yield
    }) : () -> ()
    %add3A_2 = arith.constant 0 : i32
    %add3A_3 = arith.addi %mul3A_0, %add3A_2 : i32
    "tpu.region"() ({
      %run_scoped3A = tpu.sem_alloc : memref<!tpu.dma_semaphore, #tpu.memory_space<semaphore_mem>>
      %dma_start3A = arith.constant 0 : i32
      %dma_start3A_26 = tpu.memref_slice %arg20[%add3A_3, %dma_start3A] : memref<10000x8xf32, #tpu.memory_space<vmem_shared>> -> memref<125x8xf32, #tpu.memory_space<vmem_shared>>
      %dma_start3A_27 = arith.constant 0 : i32
      %dma_start3A_28 = tpu.memref_slice %arg20[%add3A_3, %dma_start3A_27] : memref<10000x8xf32, #tpu.memory_space<vmem_shared>> -> memref<125x8xf32, #tpu.memory_space<vmem_shared>>
      tpu.enqueue_dma source(%arg17 : memref<125x8xf32, #tpu.memory_space<vmem>>) target(%dma_start3A_28 : memref<125x8xf32, #tpu.memory_space<vmem_shared>>) target_semaphore(%run_scoped3A : memref<!tpu.dma_semaphore, #tpu.memory_space<semaphore_mem>>)
      %dma_wait3A = arith.constant 0 : i32
      %dma_wait3A_29 = tpu.memref_slice %arg20[%add3A_3, %dma_wait3A] : memref<10000x8xf32, #tpu.memory_space<vmem_shared>> -> memref<125x8xf32, #tpu.memory_space<vmem_shared>>
      %dma_wait3A_30 = arith.constant 0 : i32
      %dma_wait3A_31 = tpu.memref_slice %arg20[%add3A_3, %dma_wait3A_30] : memref<10000x8xf32, #tpu.memory_space<vmem_shared>> -> memref<125x8xf32, #tpu.memory_space<vmem_shared>>
      tpu.wait_dma2 semaphore(%run_scoped3A : memref<!tpu.dma_semaphore, #tpu.memory_space<semaphore_mem>>) src(%arg17 : memref<125x8xf32, #tpu.memory_space<vmem>>) dst(%dma_wait3A_31 : memref<125x8xf32, #tpu.memory_space<vmem_shared>>)
      tpu.yield
    }) : () -> ()
    %add3A_4 = arith.constant 125 : i32
    %add3A_5 = arith.addi %mul3A_0, %add3A_4 : i32
    "tpu.region"() ({
      %run_scoped3A = tpu.sem_alloc : memref<!tpu.dma_semaphore, #tpu.memory_space<semaphore_mem>>
      %dma_start3A = arith.constant 0 : i32
      %dma_start3A_26 = tpu.memref_slice %arg19[%add3A_5, %dma_start3A] : memref<10000x64xf32, #tpu.memory_space<vmem_shared>> -> memref<125x64xf32, #tpu.memory_space<vmem_shared>>
      %dma_start3A_27 = arith.constant 0 : i32
      %dma_start3A_28 = tpu.memref_slice %arg19[%add3A_5, %dma_start3A_27] : memref<10000x64xf32, #tpu.memory_space<vmem_shared>> -> memref<125x64xf32, #tpu.memory_space<vmem_shared>>
      tpu.enqueue_dma source(%arg12 : memref<125x64xf32, #tpu.memory_space<vmem>>) target(%dma_start3A_28 : memref<125x64xf32, #tpu.memory_space<vmem_shared>>) target_semaphore(%run_scoped3A : memref<!tpu.dma_semaphore, #tpu.memory_space<semaphore_mem>>)
      %dma_wait3A = arith.constant 0 : i32
      %dma_wait3A_29 = tpu.memref_slice %arg19[%add3A_5, %dma_wait3A] : memref<10000x64xf32, #tpu.memory_space<vmem_shared>> -> memref<125x64xf32, #tpu.memory_space<vmem_shared>>
      %dma_wait3A_30 = arith.constant 0 : i32
      %dma_wait3A_31 = tpu.memref_slice %arg19[%add3A_5, %dma_wait3A_30] : memref<10000x64xf32, #tpu.memory_space<vmem_shared>> -> memref<125x64xf32, #tpu.memory_space<vmem_shared>>
      tpu.wait_dma2 semaphore(%run_scoped3A : memref<!tpu.dma_semaphore, #tpu.memory_space<semaphore_mem>>) src(%arg12 : memref<125x64xf32, #tpu.memory_space<vmem>>) dst(%dma_wait3A_31 : memref<125x64xf32, #tpu.memory_space<vmem_shared>>)
      tpu.yield
    }) : () -> ()
    %add3A_6 = arith.constant 125 : i32
    %add3A_7 = arith.addi %mul3A_0, %add3A_6 : i32
    "tpu.region"() ({
      %run_scoped3A = tpu.sem_alloc : memref<!tpu.dma_semaphore, #tpu.memory_space<semaphore_mem>>
      %dma_start3A = arith.constant 0 : i32
      %dma_start3A_26 = tpu.memref_slice %arg20[%add3A_7, %dma_start3A] : memref<10000x8xf32, #tpu.memory_space<vmem_shared>> -> memref<125x8xf32, #tpu.memory_space<vmem_shared>>
      %dma_start3A_27 = arith.constant 0 : i32
      %dma_start3A_28 = tpu.memref_slice %arg20[%add3A_7, %dma_start3A_27] : memref<10000x8xf32, #tpu.memory_space<vmem_shared>> -> memref<125x8xf32, #tpu.memory_space<vmem_shared>>
      tpu.enqueue_dma source(%arg17 : memref<125x8xf32, #tpu.memory_space<vmem>>) target(%dma_start3A_28 : memref<125x8xf32, #tpu.memory_space<vmem_shared>>) target_semaphore(%run_scoped3A : memref<!tpu.dma_semaphore, #tpu.memory_space<semaphore_mem>>)
      %dma_wait3A = arith.constant 0 : i32
      %dma_wait3A_29 = tpu.memref_slice %arg20[%add3A_7, %dma_wait3A] : memref<10000x8xf32, #tpu.memory_space<vmem_shared>> -> memref<125x8xf32, #tpu.memory_space<vmem_shared>>
      %dma_wait3A_30 = arith.constant 0 : i32
      %dma_wait3A_31 = tpu.memref_slice %arg20[%add3A_7, %dma_wait3A_30] : memref<10000x8xf32, #tpu.memory_space<vmem_shared>> -> memref<125x8xf32, #tpu.memory_space<vmem_shared>>
      tpu.wait_dma2 semaphore(%run_scoped3A : memref<!tpu.dma_semaphore, #tpu.memory_space<semaphore_mem>>) src(%arg17 : memref<125x8xf32, #tpu.memory_space<vmem>>) dst(%dma_wait3A_31 : memref<125x8xf32, #tpu.memory_space<vmem_shared>>)
      tpu.yield
    }) : () -> ()
    %add3A_8 = arith.constant 250 : i32
    %add3A_9 = arith.addi %mul3A_0, %add3A_8 : i32
    "tpu.region"() ({
      %run_scoped3A = tpu.sem_alloc : memref<!tpu.dma_semaphore, #tpu.memory_space<semaphore_mem>>
      %dma_start3A = arith.constant 0 : i32
      %dma_start3A_26 = tpu.memref_slice %arg19[%add3A_9, %dma_start3A] : memref<10000x64xf32, #tpu.memory_space<vmem_shared>> -> memref<125x64xf32, #tpu.memory_space<vmem_shared>>
      %dma_start3A_27 = arith.constant 0 : i32
      %dma_start3A_28 = tpu.memref_slice %arg19[%add3A_9, %dma_start3A_27] : memref<10000x64xf32, #tpu.memory_space<vmem_shared>> -> memref<125x64xf32, #tpu.memory_space<vmem_shared>>
      tpu.enqueue_dma source(%arg12 : memref<125x64xf32, #tpu.memory_space<vmem>>) target(%dma_start3A_28 : memref<125x64xf32, #tpu.memory_space<vmem_shared>>) target_semaphore(%run_scoped3A : memref<!tpu.dma_semaphore, #tpu.memory_space<semaphore_mem>>)
      %dma_wait3A = arith.constant 0 : i32
      %dma_wait3A_29 = tpu.memref_slice %arg19[%add3A_9, %dma_wait3A] : memref<10000x64xf32, #tpu.memory_space<vmem_shared>> -> memref<125x64xf32, #tpu.memory_space<vmem_shared>>
      %dma_wait3A_30 = arith.constant 0 : i32
      %dma_wait3A_31 = tpu.memref_slice %arg19[%add3A_9, %dma_wait3A_30] : memref<10000x64xf32, #tpu.memory_space<vmem_shared>> -> memref<125x64xf32, #tpu.memory_space<vmem_shared>>
      tpu.wait_dma2 semaphore(%run_scoped3A : memref<!tpu.dma_semaphore, #tpu.memory_space<semaphore_mem>>) src(%arg12 : memref<125x64xf32, #tpu.memory_space<vmem>>) dst(%dma_wait3A_31 : memref<125x64xf32, #tpu.memory_space<vmem_shared>>)
      tpu.yield
    }) : () -> ()
    %add3A_10 = arith.constant 250 : i32
    %add3A_11 = arith.addi %mul3A_0, %add3A_10 : i32
    "tpu.region"() ({
      %run_scoped3A = tpu.sem_alloc : memref<!tpu.dma_semaphore, #tpu.memory_space<semaphore_mem>>
      %dma_start3A = arith.constant 0 : i32
      %dma_start3A_26 = tpu.memref_slice %arg20[%add3A_11, %dma_start3A] : memref<10000x8xf32, #tpu.memory_space<vmem_shared>> -> memref<125x8xf32, #tpu.memory_space<vmem_shared>>
      %dma_start3A_27 = arith.constant 0 : i32
      %dma_start3A_28 = tpu.memref_slice %arg20[%add3A_11, %dma_start3A_27] : memref<10000x8xf32, #tpu.memory_space<vmem_shared>> -> memref<125x8xf32, #tpu.memory_space<vmem_shared>>
      tpu.enqueue_dma source(%arg17 : memref<125x8xf32, #tpu.memory_space<vmem>>) target(%dma_start3A_28 : memref<125x8xf32, #tpu.memory_space<vmem_shared>>) target_semaphore(%run_scoped3A : memref<!tpu.dma_semaphore, #tpu.memory_space<semaphore_mem>>)
      %dma_wait3A = arith.constant 0 : i32
      %dma_wait3A_29 = tpu.memref_slice %arg20[%add3A_11, %dma_wait3A] : memref<10000x8xf32, #tpu.memory_space<vmem_shared>> -> memref<125x8xf32, #tpu.memory_space<vmem_shared>>
      %dma_wait3A_30 = arith.constant 0 : i32
      %dma_wait3A_31 = tpu.memref_slice %arg20[%add3A_11, %dma_wait3A_30] : memref<10000x8xf32, #tpu.memory_space<vmem_shared>> -> memref<125x8xf32, #tpu.memory_space<vmem_shared>>
      tpu.wait_dma2 semaphore(%run_scoped3A : memref<!tpu.dma_semaphore, #tpu.memory_space<semaphore_mem>>) src(%arg17 : memref<125x8xf32, #tpu.memory_space<vmem>>) dst(%dma_wait3A_31 : memref<125x8xf32, #tpu.memory_space<vmem_shared>>)
      tpu.yield
    }) : () -> ()
    %add3A_12 = arith.constant 375 : i32
    %add3A_13 = arith.addi %mul3A_0, %add3A_12 : i32
    "tpu.region"() ({
      %run_scoped3A = tpu.sem_alloc : memref<!tpu.dma_semaphore, #tpu.memory_space<semaphore_mem>>
      %dma_start3A = arith.constant 0 : i32
      %dma_start3A_26 = tpu.memref_slice %arg19[%add3A_13, %dma_start3A] : memref<10000x64xf32, #tpu.memory_space<vmem_shared>> -> memref<125x64xf32, #tpu.memory_space<vmem_shared>>
      %dma_start3A_27 = arith.constant 0 : i32
      %dma_start3A_28 = tpu.memref_slice %arg19[%add3A_13, %dma_start3A_27] : memref<10000x64xf32, #tpu.memory_space<vmem_shared>> -> memref<125x64xf32, #tpu.memory_space<vmem_shared>>
      tpu.enqueue_dma source(%arg12 : memref<125x64xf32, #tpu.memory_space<vmem>>) target(%dma_start3A_28 : memref<125x64xf32, #tpu.memory_space<vmem_shared>>) target_semaphore(%run_scoped3A : memref<!tpu.dma_semaphore, #tpu.memory_space<semaphore_mem>>)
      %dma_wait3A = arith.constant 0 : i32
      %dma_wait3A_29 = tpu.memref_slice %arg19[%add3A_13, %dma_wait3A] : memref<10000x64xf32, #tpu.memory_space<vmem_shared>> -> memref<125x64xf32, #tpu.memory_space<vmem_shared>>
      %dma_wait3A_30 = arith.constant 0 : i32
      %dma_wait3A_31 = tpu.memref_slice %arg19[%add3A_13, %dma_wait3A_30] : memref<10000x64xf32, #tpu.memory_space<vmem_shared>> -> memref<125x64xf32, #tpu.memory_space<vmem_shared>>
      tpu.wait_dma2 semaphore(%run_scoped3A : memref<!tpu.dma_semaphore, #tpu.memory_space<semaphore_mem>>) src(%arg12 : memref<125x64xf32, #tpu.memory_space<vmem>>) dst(%dma_wait3A_31 : memref<125x64xf32, #tpu.memory_space<vmem_shared>>)
      tpu.yield
    }) : () -> ()
    %add3A_14 = arith.constant 375 : i32
    %add3A_15 = arith.addi %mul3A_0, %add3A_14 : i32
    "tpu.region"() ({
      %run_scoped3A = tpu.sem_alloc : memref<!tpu.dma_semaphore, #tpu.memory_space<semaphore_mem>>
      %dma_start3A = arith.constant 0 : i32
      %dma_start3A_26 = tpu.memref_slice %arg20[%add3A_15, %dma_start3A] : memref<10000x8xf32, #tpu.memory_space<vmem_shared>> -> memref<125x8xf32, #tpu.memory_space<vmem_shared>>
      %dma_start3A_27 = arith.constant 0 : i32
      %dma_start3A_28 = tpu.memref_slice %arg20[%add3A_15, %dma_start3A_27] : memref<10000x8xf32, #tpu.memory_space<vmem_shared>> -> memref<125x8xf32, #tpu.memory_space<vmem_shared>>
      tpu.enqueue_dma source(%arg17 : memref<125x8xf32, #tpu.memory_space<vmem>>) target(%dma_start3A_28 : memref<125x8xf32, #tpu.memory_space<vmem_shared>>) target_semaphore(%run_scoped3A : memref<!tpu.dma_semaphore, #tpu.memory_space<semaphore_mem>>)
      %dma_wait3A = arith.constant 0 : i32
      %dma_wait3A_29 = tpu.memref_slice %arg20[%add3A_15, %dma_wait3A] : memref<10000x8xf32, #tpu.memory_space<vmem_shared>> -> memref<125x8xf32, #tpu.memory_space<vmem_shared>>
      %dma_wait3A_30 = arith.constant 0 : i32
      %dma_wait3A_31 = tpu.memref_slice %arg20[%add3A_15, %dma_wait3A_30] : memref<10000x8xf32, #tpu.memory_space<vmem_shared>> -> memref<125x8xf32, #tpu.memory_space<vmem_shared>>
      tpu.wait_dma2 semaphore(%run_scoped3A : memref<!tpu.dma_semaphore, #tpu.memory_space<semaphore_mem>>) src(%arg17 : memref<125x8xf32, #tpu.memory_space<vmem>>) dst(%dma_wait3A_31 : memref<125x8xf32, #tpu.memory_space<vmem_shared>>)
      tpu.yield
    }) : () -> ()
    %add3A_16 = arith.constant 500 : i32
    %add3A_17 = arith.addi %mul3A_0, %add3A_16 : i32
    "tpu.region"() ({
      %run_scoped3A = tpu.sem_alloc : memref<!tpu.dma_semaphore, #tpu.memory_space<semaphore_mem>>
      %dma_start3A = arith.constant 0 : i32
      %dma_start3A_26 = tpu.memref_slice %arg19[%add3A_17, %dma_start3A] : memref<10000x64xf32, #tpu.memory_space<vmem_shared>> -> memref<125x64xf32, #tpu.memory_space<vmem_shared>>
      %dma_start3A_27 = arith.constant 0 : i32
      %dma_start3A_28 = tpu.memref_slice %arg19[%add3A_17, %dma_start3A_27] : memref<10000x64xf32, #tpu.memory_space<vmem_shared>> -> memref<125x64xf32, #tpu.memory_space<vmem_shared>>
      tpu.enqueue_dma source(%arg12 : memref<125x64xf32, #tpu.memory_space<vmem>>) target(%dma_start3A_28 : memref<125x64xf32, #tpu.memory_space<vmem_shared>>) target_semaphore(%run_scoped3A : memref<!tpu.dma_semaphore, #tpu.memory_space<semaphore_mem>>)
      %dma_wait3A = arith.constant 0 : i32
      %dma_wait3A_29 = tpu.memref_slice %arg19[%add3A_17, %dma_wait3A] : memref<10000x64xf32, #tpu.memory_space<vmem_shared>> -> memref<125x64xf32, #tpu.memory_space<vmem_shared>>
      %dma_wait3A_30 = arith.constant 0 : i32
      %dma_wait3A_31 = tpu.memref_slice %arg19[%add3A_17, %dma_wait3A_30] : memref<10000x64xf32, #tpu.memory_space<vmem_shared>> -> memref<125x64xf32, #tpu.memory_space<vmem_shared>>
      tpu.wait_dma2 semaphore(%run_scoped3A : memref<!tpu.dma_semaphore, #tpu.memory_space<semaphore_mem>>) src(%arg12 : memref<125x64xf32, #tpu.memory_space<vmem>>) dst(%dma_wait3A_31 : memref<125x64xf32, #tpu.memory_space<vmem_shared>>)
      tpu.yield
    }) : () -> ()
    %add3A_18 = arith.constant 500 : i32
    %add3A_19 = arith.addi %mul3A_0, %add3A_18 : i32
    "tpu.region"() ({
      %run_scoped3A = tpu.sem_alloc : memref<!tpu.dma_semaphore, #tpu.memory_space<semaphore_mem>>
      %dma_start3A = arith.constant 0 : i32
      %dma_start3A_26 = tpu.memref_slice %arg20[%add3A_19, %dma_start3A] : memref<10000x8xf32, #tpu.memory_space<vmem_shared>> -> memref<125x8xf32, #tpu.memory_space<vmem_shared>>
      %dma_start3A_27 = arith.constant 0 : i32
      %dma_start3A_28 = tpu.memref_slice %arg20[%add3A_19, %dma_start3A_27] : memref<10000x8xf32, #tpu.memory_space<vmem_shared>> -> memref<125x8xf32, #tpu.memory_space<vmem_shared>>
      tpu.enqueue_dma source(%arg17 : memref<125x8xf32, #tpu.memory_space<vmem>>) target(%dma_start3A_28 : memref<125x8xf32, #tpu.memory_space<vmem_shared>>) target_semaphore(%run_scoped3A : memref<!tpu.dma_semaphore, #tpu.memory_space<semaphore_mem>>)
      %dma_wait3A = arith.constant 0 : i32
      %dma_wait3A_29 = tpu.memref_slice %arg20[%add3A_19, %dma_wait3A] : memref<10000x8xf32, #tpu.memory_space<vmem_shared>> -> memref<125x8xf32, #tpu.memory_space<vmem_shared>>
      %dma_wait3A_30 = arith.constant 0 : i32
      %dma_wait3A_31 = tpu.memref_slice %arg20[%add3A_19, %dma_wait3A_30] : memref<10000x8xf32, #tpu.memory_space<vmem_shared>> -> memref<125x8xf32, #tpu.memory_space<vmem_shared>>
      tpu.wait_dma2 semaphore(%run_scoped3A : memref<!tpu.dma_semaphore, #tpu.memory_space<semaphore_mem>>) src(%arg17 : memref<125x8xf32, #tpu.memory_space<vmem>>) dst(%dma_wait3A_31 : memref<125x8xf32, #tpu.memory_space<vmem_shared>>)
      tpu.yield
    }) : () -> ()
    "tpu.region"() ({
      %run_scoped3A = tpu.sem_alloc : memref<!tpu.dma_semaphore, #tpu.memory_space<semaphore_mem>>
      %dma_start3A = arith.constant 0 : i32
      %dma_start3A_26 = arith.constant 0 : i32
      %dma_start3A_27 = tpu.memref_slice %arg2[%arg0, %arg1, %dma_start3A, %dma_start3A_26] : memref<2x16x160x125xi32, #tpu.memory_space<hbm>> -> memref<1x1x160x125xi32, #tpu.memory_space<hbm>>
      %dma_start3A_28 = tpu.memref_squeeze %dma_start3A_27 : memref<1x1x160x125xi32, #tpu.memory_space<hbm>> -> memref<160x125xi32, #tpu.memory_space<hbm>>
      %dma_start3A_29 = arith.constant 0 : i32
      %dma_start3A_30 = arith.constant 0 : i32
      %dma_start3A_31 = tpu.memref_slice %arg2[%arg0, %arg1, %dma_start3A_29, %dma_start3A_30] : memref<2x16x160x125xi32, #tpu.memory_space<hbm>> -> memref<1x1x160x125xi32, #tpu.memory_space<hbm>>
      %dma_start3A_32 = tpu.memref_squeeze %dma_start3A_31 : memref<1x1x160x125xi32, #tpu.memory_space<hbm>> -> memref<160x125xi32, #tpu.memory_space<hbm>>
      tpu.enqueue_dma source(%dma_start3A_32 : memref<160x125xi32, #tpu.memory_space<hbm>>) target(%arg10 : memref<160x125xi32, #tpu.memory_space<vmem>>) target_semaphore(%run_scoped3A : memref<!tpu.dma_semaphore, #tpu.memory_space<semaphore_mem>>)
      %dma_wait3A = arith.constant 0 : i32
      %dma_wait3A_33 = arith.constant 0 : i32
      %dma_wait3A_34 = tpu.memref_slice %arg2[%arg0, %arg1, %dma_wait3A, %dma_wait3A_33] : memref<2x16x160x125xi32, #tpu.memory_space<hbm>> -> memref<1x1x160x125xi32, #tpu.memory_space<hbm>>
      %dma_wait3A_35 = tpu.memref_squeeze %dma_wait3A_34 : memref<1x1x160x125xi32, #tpu.memory_space<hbm>> -> memref<160x125xi32, #tpu.memory_space<hbm>>
      %dma_wait3A_36 = arith.constant 0 : i32
      %dma_wait3A_37 = arith.constant 0 : i32
      %dma_wait3A_38 = tpu.memref_slice %arg2[%arg0, %arg1, %dma_wait3A_36, %dma_wait3A_37] : memref<2x16x160x125xi32, #tpu.memory_space<hbm>> -> memref<1x1x160x125xi32, #tpu.memory_space<hbm>>
      %dma_wait3A_39 = tpu.memref_squeeze %dma_wait3A_38 : memref<1x1x160x125xi32, #tpu.memory_space<hbm>> -> memref<160x125xi32, #tpu.memory_space<hbm>>
      tpu.wait_dma2 semaphore(%run_scoped3A : memref<!tpu.dma_semaphore, #tpu.memory_space<semaphore_mem>>) src(%dma_wait3A_39 : memref<160x125xi32, #tpu.memory_space<hbm>>) dst(%arg10 : memref<160x125xi32, #tpu.memory_space<vmem>>)
      tpu.yield
    }) : () -> ()
    "tpu.region"() ({
      %run_scoped3A = tpu.sem_alloc : memref<!tpu.dma_semaphore, #tpu.memory_space<semaphore_mem>>
      %dma_start3A = arith.constant 0 : i32
      %dma_start3A_26 = arith.constant 0 : i32
      %dma_start3A_27 = tpu.memref_slice %arg3[%arg1, %dma_start3A, %dma_start3A_26] : memref<16x160x125xi32, #tpu.memory_space<hbm>> -> memref<1x160x125xi32, #tpu.memory_space<hbm>>
      %dma_start3A_28 = tpu.memref_squeeze %dma_start3A_27 : memref<1x160x125xi32, #tpu.memory_space<hbm>> -> memref<160x125xi32, #tpu.memory_space<hbm>>
      %dma_start3A_29 = arith.constant 0 : i32
      %dma_start3A_30 = arith.constant 0 : i32
      %dma_start3A_31 = tpu.memref_slice %arg3[%arg1, %dma_start3A_29, %dma_start3A_30] : memref<16x160x125xi32, #tpu.memory_space<hbm>> -> memref<1x160x125xi32, #tpu.memory_space<hbm>>
      %dma_start3A_32 = tpu.memref_squeeze %dma_start3A_31 : memref<1x160x125xi32, #tpu.memory_space<hbm>> -> memref<160x125xi32, #tpu.memory_space<hbm>>
      tpu.enqueue_dma source(%dma_start3A_32 : memref<160x125xi32, #tpu.memory_space<hbm>>) target(%arg11 : memref<160x125xi32, #tpu.memory_space<vmem>>) target_semaphore(%run_scoped3A : memref<!tpu.dma_semaphore, #tpu.memory_space<semaphore_mem>>)
      %dma_wait3A = arith.constant 0 : i32
      %dma_wait3A_33 = arith.constant 0 : i32
      %dma_wait3A_34 = tpu.memref_slice %arg3[%arg1, %dma_wait3A, %dma_wait3A_33] : memref<16x160x125xi32, #tpu.memory_space<hbm>> -> memref<1x160x125xi32, #tpu.memory_space<hbm>>
      %dma_wait3A_35 = tpu.memref_squeeze %dma_wait3A_34 : memref<1x160x125xi32, #tpu.memory_space<hbm>> -> memref<160x125xi32, #tpu.memory_space<hbm>>
      %dma_wait3A_36 = arith.constant 0 : i32
      %dma_wait3A_37 = arith.constant 0 : i32
      %dma_wait3A_38 = tpu.memref_slice %arg3[%arg1, %dma_wait3A_36, %dma_wait3A_37] : memref<16x160x125xi32, #tpu.memory_space<hbm>> -> memref<1x160x125xi32, #tpu.memory_space<hbm>>
      %dma_wait3A_39 = tpu.memref_squeeze %dma_wait3A_38 : memref<1x160x125xi32, #tpu.memory_space<hbm>> -> memref<160x125xi32, #tpu.memory_space<hbm>>
      tpu.wait_dma2 semaphore(%run_scoped3A : memref<!tpu.dma_semaphore, #tpu.memory_space<semaphore_mem>>) src(%dma_wait3A_39 : memref<160x125xi32, #tpu.memory_space<hbm>>) dst(%arg11 : memref<160x125xi32, #tpu.memory_space<vmem>>)
      tpu.yield
    }) : () -> ()
    %barrier3A = arith.constant 0 : index
    tpu.barrier barrier_id(%barrier3A)
    %scan3A = arith.constant 0 : i32
    %scan3A_20 = arith.constant 0 : i32
    %scan3A_21 = arith.constant 32 : i32
    %scan3A_22 = arith.addi %scan3A_20, %scan3A_21 : i32
    %scan3A_23 = arith.constant 1 : i32
    scf.for %scan3A_26 = %scan3A_20 to %scan3A_22 step %scan3A_23  : i32 {
      %mul3A_27 = arith.constant 5 : i32
      %mul3A_28 = arith.muli %scan3A_26, %mul3A_27 : i32
      %add3A_29 = arith.constant 0 : i32
      %add3A_30 = arith.addi %mul3A_28, %add3A_29 : i32
      %dma_start3A = arith.constant 0 : i32
      %dma_start3A_31 = tpu.memref_slice %arg10[%add3A_30, %dma_start3A] : memref<160x125xi32, #tpu.memory_space<vmem>> -> memref<1x125xi32, #tpu.memory_space<vmem>>
      %dma_start3A_32 = tpu.memref_squeeze %dma_start3A_31 : memref<1x125xi32, #tpu.memory_space<vmem>> -> memref<125xi32, #tpu.memory_space<vmem>>
      %dma_start3A_33 = arith.constant 0 : i32
      %dma_start3A_34 = arith.constant 0 : i32
      %dma_start3A_35 = tpu.memref_slice %arg4[%dma_start3A_33, %dma_start3A_34] : memref<100000x64xf32, #tpu.memory_space<hbm>> -> memref<100000x64xf32, #tpu.memory_space<hbm>>
      tpu.enqueue_indirect_dma source(%dma_start3A_35 : memref<100000x64xf32, #tpu.memory_space<hbm>>) target(%arg12 : memref<125x64xf32, #tpu.memory_space<vmem>>) offsets(%dma_start3A_32 : memref<125xi32, #tpu.memory_space<vmem>>) semaphore(%arg21 : memref<!tpu.dma_semaphore, #tpu.memory_space<semaphore_mem>>)
      %add3A_36 = arith.constant 1 : i32
      %add3A_37 = arith.addi %mul3A_28, %add3A_36 : i32
      %dma_start3A_38 = arith.constant 0 : i32
      %dma_start3A_39 = tpu.memref_slice %arg10[%add3A_37, %dma_start3A_38] : memref<160x125xi32, #tpu.memory_space<vmem>> -> memref<1x125xi32, #tpu.memory_space<vmem>>
      %dma_start3A_40 = tpu.memref_squeeze %dma_start3A_39 : memref<1x125xi32, #tpu.memory_space<vmem>> -> memref<125xi32, #tpu.memory_space<vmem>>
      %dma_start3A_41 = arith.constant 0 : i32
      %dma_start3A_42 = arith.constant 0 : i32
      %dma_start3A_43 = tpu.memref_slice %arg4[%dma_start3A_41, %dma_start3A_42] : memref<100000x64xf32, #tpu.memory_space<hbm>> -> memref<100000x64xf32, #tpu.memory_space<hbm>>
      tpu.enqueue_indirect_dma source(%dma_start3A_43 : memref<100000x64xf32, #tpu.memory_space<hbm>>) target(%arg13 : memref<125x64xf32, #tpu.memory_space<vmem>>) offsets(%dma_start3A_40 : memref<125xi32, #tpu.memory_space<vmem>>) semaphore(%arg22 : memref<!tpu.dma_semaphore, #tpu.memory_space<semaphore_mem>>)
      %add3A_44 = arith.constant 2 : i32
      %add3A_45 = arith.addi %mul3A_28, %add3A_44 : i32
      %dma_start3A_46 = arith.constant 0 : i32
      %dma_start3A_47 = tpu.memref_slice %arg10[%add3A_45, %dma_start3A_46] : memref<160x125xi32, #tpu.memory_space<vmem>> -> memref<1x125xi32, #tpu.memory_space<vmem>>
      %dma_start3A_48 = tpu.memref_squeeze %dma_start3A_47 : memref<1x125xi32, #tpu.memory_space<vmem>> -> memref<125xi32, #tpu.memory_space<vmem>>
      %dma_start3A_49 = arith.constant 0 : i32
      %dma_start3A_50 = arith.constant 0 : i32
      %dma_start3A_51 = tpu.memref_slice %arg4[%dma_start3A_49, %dma_start3A_50] : memref<100000x64xf32, #tpu.memory_space<hbm>> -> memref<100000x64xf32, #tpu.memory_space<hbm>>
      tpu.enqueue_indirect_dma source(%dma_start3A_51 : memref<100000x64xf32, #tpu.memory_space<hbm>>) target(%arg14 : memref<125x64xf32, #tpu.memory_space<vmem>>) offsets(%dma_start3A_48 : memref<125xi32, #tpu.memory_space<vmem>>) semaphore(%arg23 : memref<!tpu.dma_semaphore, #tpu.memory_space<semaphore_mem>>)
      %add3A_52 = arith.constant 3 : i32
      %add3A_53 = arith.addi %mul3A_28, %add3A_52 : i32
      %dma_start3A_54 = arith.constant 0 : i32
      %dma_start3A_55 = tpu.memref_slice %arg10[%add3A_53, %dma_start3A_54] : memref<160x125xi32, #tpu.memory_space<vmem>> -> memref<1x125xi32, #tpu.memory_space<vmem>>
      %dma_start3A_56 = tpu.memref_squeeze %dma_start3A_55 : memref<1x125xi32, #tpu.memory_space<vmem>> -> memref<125xi32, #tpu.memory_space<vmem>>
      %dma_start3A_57 = arith.constant 0 : i32
      %dma_start3A_58 = arith.constant 0 : i32
      %dma_start3A_59 = tpu.memref_slice %arg4[%dma_start3A_57, %dma_start3A_58] : memref<100000x64xf32, #tpu.memory_space<hbm>> -> memref<100000x64xf32, #tpu.memory_space<hbm>>
      tpu.enqueue_indirect_dma source(%dma_start3A_59 : memref<100000x64xf32, #tpu.memory_space<hbm>>) target(%arg15 : memref<125x64xf32, #tpu.memory_space<vmem>>) offsets(%dma_start3A_56 : memref<125xi32, #tpu.memory_space<vmem>>) semaphore(%arg24 : memref<!tpu.dma_semaphore, #tpu.memory_space<semaphore_mem>>)
      %add3A_60 = arith.constant 4 : i32
      %add3A_61 = arith.addi %mul3A_28, %add3A_60 : i32
      %dma_start3A_62 = arith.constant 0 : i32
      %dma_start3A_63 = tpu.memref_slice %arg10[%add3A_61, %dma_start3A_62] : memref<160x125xi32, #tpu.memory_space<vmem>> -> memref<1x125xi32, #tpu.memory_space<vmem>>
      %dma_start3A_64 = tpu.memref_squeeze %dma_start3A_63 : memref<1x125xi32, #tpu.memory_space<vmem>> -> memref<125xi32, #tpu.memory_space<vmem>>
      %dma_start3A_65 = arith.constant 0 : i32
      %dma_start3A_66 = arith.constant 0 : i32
      %dma_start3A_67 = tpu.memref_slice %arg4[%dma_start3A_65, %dma_start3A_66] : memref<100000x64xf32, #tpu.memory_space<hbm>> -> memref<100000x64xf32, #tpu.memory_space<hbm>>
      tpu.enqueue_indirect_dma source(%dma_start3A_67 : memref<100000x64xf32, #tpu.memory_space<hbm>>) target(%arg16 : memref<125x64xf32, #tpu.memory_space<vmem>>) offsets(%dma_start3A_64 : memref<125xi32, #tpu.memory_space<vmem>>) semaphore(%arg25 : memref<!tpu.dma_semaphore, #tpu.memory_space<semaphore_mem>>)
      %dma_wait3A = arith.constant 0 : i32
      %dma_wait3A_68 = tpu.memref_slice %arg10[%add3A_30, %dma_wait3A] : memref<160x125xi32, #tpu.memory_space<vmem>> -> memref<1x125xi32, #tpu.memory_space<vmem>>
      %dma_wait3A_69 = tpu.memref_squeeze %dma_wait3A_68 : memref<1x125xi32, #tpu.memory_space<vmem>> -> memref<125xi32, #tpu.memory_space<vmem>>
      %dma_wait3A_70 = arith.constant 0 : i32
      %dma_wait3A_71 = arith.constant 0 : i32
      %dma_wait3A_72 = tpu.memref_slice %arg4[%dma_wait3A_70, %dma_wait3A_71] : memref<100000x64xf32, #tpu.memory_space<hbm>> -> memref<100000x64xf32, #tpu.memory_space<hbm>>
      tpu.wait_indirect_dma semaphore(%arg21 : memref<!tpu.dma_semaphore, #tpu.memory_space<semaphore_mem>>) src(%dma_wait3A_72 : memref<100000x64xf32, #tpu.memory_space<hbm>>) dst(%arg12 : memref<125x64xf32, #tpu.memory_space<vmem>>)
      %add3A_73 = arith.constant 0 : i32
      %add3A_74 = arith.addi %mul3A_28, %add3A_73 : i32
      %dma_start3A_75 = arith.constant 0 : i32
      %dma_start3A_76 = tpu.memref_slice %arg11[%add3A_74, %dma_start3A_75] : memref<160x125xi32, #tpu.memory_space<vmem>> -> memref<1x125xi32, #tpu.memory_space<vmem>>
      %dma_start3A_77 = tpu.memref_squeeze %dma_start3A_76 : memref<1x125xi32, #tpu.memory_space<vmem>> -> memref<125xi32, #tpu.memory_space<vmem>>
      %dma_start3A_78 = arith.constant 0 : i32
      %dma_start3A_79 = arith.constant 0 : i32
      %dma_start3A_80 = tpu.memref_slice %arg19[%dma_start3A_78, %dma_start3A_79] : memref<10000x64xf32, #tpu.memory_space<vmem_shared>> -> memref<10000x64xf32, #tpu.memory_space<vmem_shared>>
      tpu.enqueue_indirect_dma source(%arg12 : memref<125x64xf32, #tpu.memory_space<vmem>>) target(%dma_start3A_80 : memref<10000x64xf32, #tpu.memory_space<vmem_shared>>) offsets(%dma_start3A_77 : memref<125xi32, #tpu.memory_space<vmem>>) semaphore(%arg26 : memref<!tpu.dma_semaphore, #tpu.memory_space<semaphore_mem>>) {add = true}
      %add3A_81 = arith.constant 0 : i32
      %add3A_82 = arith.addi %mul3A_28, %add3A_81 : i32
      %dma_start3A_83 = arith.constant 0 : i32
      %dma_start3A_84 = tpu.memref_slice %arg11[%add3A_82, %dma_start3A_83] : memref<160x125xi32, #tpu.memory_space<vmem>> -> memref<1x125xi32, #tpu.memory_space<vmem>>
      %dma_start3A_85 = tpu.memref_squeeze %dma_start3A_84 : memref<1x125xi32, #tpu.memory_space<vmem>> -> memref<125xi32, #tpu.memory_space<vmem>>
      %dma_start3A_86 = arith.constant 0 : i32
      %dma_start3A_87 = arith.constant 0 : i32
      %dma_start3A_88 = tpu.memref_slice %arg20[%dma_start3A_86, %dma_start3A_87] : memref<10000x8xf32, #tpu.memory_space<vmem_shared>> -> memref<10000x8xf32, #tpu.memory_space<vmem_shared>>
      tpu.enqueue_indirect_dma source(%arg18 : memref<125x8xf32, #tpu.memory_space<vmem>>) target(%dma_start3A_88 : memref<10000x8xf32, #tpu.memory_space<vmem_shared>>) offsets(%dma_start3A_85 : memref<125xi32, #tpu.memory_space<vmem>>) semaphore(%arg31 : memref<!tpu.dma_semaphore, #tpu.memory_space<semaphore_mem>>) {add = true}
      %dma_wait3A_89 = arith.constant 0 : i32
      %dma_wait3A_90 = tpu.memref_slice %arg10[%add3A_37, %dma_wait3A_89] : memref<160x125xi32, #tpu.memory_space<vmem>> -> memref<1x125xi32, #tpu.memory_space<vmem>>
      %dma_wait3A_91 = tpu.memref_squeeze %dma_wait3A_90 : memref<1x125xi32, #tpu.memory_space<vmem>> -> memref<125xi32, #tpu.memory_space<vmem>>
      %dma_wait3A_92 = arith.constant 0 : i32
      %dma_wait3A_93 = arith.constant 0 : i32
      %dma_wait3A_94 = tpu.memref_slice %arg4[%dma_wait3A_92, %dma_wait3A_93] : memref<100000x64xf32, #tpu.memory_space<hbm>> -> memref<100000x64xf32, #tpu.memory_space<hbm>>
      tpu.wait_indirect_dma semaphore(%arg22 : memref<!tpu.dma_semaphore, #tpu.memory_space<semaphore_mem>>) src(%dma_wait3A_94 : memref<100000x64xf32, #tpu.memory_space<hbm>>) dst(%arg13 : memref<125x64xf32, #tpu.memory_space<vmem>>)
      %add3A_95 = arith.constant 1 : i32
      %add3A_96 = arith.addi %mul3A_28, %add3A_95 : i32
      %dma_start3A_97 = arith.constant 0 : i32
      %dma_start3A_98 = tpu.memref_slice %arg11[%add3A_96, %dma_start3A_97] : memref<160x125xi32, #tpu.memory_space<vmem>> -> memref<1x125xi32, #tpu.memory_space<vmem>>
      %dma_start3A_99 = tpu.memref_squeeze %dma_start3A_98 : memref<1x125xi32, #tpu.memory_space<vmem>> -> memref<125xi32, #tpu.memory_space<vmem>>
      %dma_start3A_100 = arith.constant 0 : i32
      %dma_start3A_101 = arith.constant 0 : i32
      %dma_start3A_102 = tpu.memref_slice %arg19[%dma_start3A_100, %dma_start3A_101] : memref<10000x64xf32, #tpu.memory_space<vmem_shared>> -> memref<10000x64xf32, #tpu.memory_space<vmem_shared>>
      tpu.enqueue_indirect_dma source(%arg13 : memref<125x64xf32, #tpu.memory_space<vmem>>) target(%dma_start3A_102 : memref<10000x64xf32, #tpu.memory_space<vmem_shared>>) offsets(%dma_start3A_99 : memref<125xi32, #tpu.memory_space<vmem>>) semaphore(%arg27 : memref<!tpu.dma_semaphore, #tpu.memory_space<semaphore_mem>>) {add = true}
      %add3A_103 = arith.constant 1 : i32
      %add3A_104 = arith.addi %mul3A_28, %add3A_103 : i32
      %dma_start3A_105 = arith.constant 0 : i32
      %dma_start3A_106 = tpu.memref_slice %arg11[%add3A_104, %dma_start3A_105] : memref<160x125xi32, #tpu.memory_space<vmem>> -> memref<1x125xi32, #tpu.memory_space<vmem>>
      %dma_start3A_107 = tpu.memref_squeeze %dma_start3A_106 : memref<1x125xi32, #tpu.memory_space<vmem>> -> memref<125xi32, #tpu.memory_space<vmem>>
      %dma_start3A_108 = arith.constant 0 : i32
      %dma_start3A_109 = arith.constant 0 : i32
      %dma_start3A_110 = tpu.memref_slice %arg20[%dma_start3A_108, %dma_start3A_109] : memref<10000x8xf32, #tpu.memory_space<vmem_shared>> -> memref<10000x8xf32, #tpu.memory_space<vmem_shared>>
      tpu.enqueue_indirect_dma source(%arg18 : memref<125x8xf32, #tpu.memory_space<vmem>>) target(%dma_start3A_110 : memref<10000x8xf32, #tpu.memory_space<vmem_shared>>) offsets(%dma_start3A_107 : memref<125xi32, #tpu.memory_space<vmem>>) semaphore(%arg31 : memref<!tpu.dma_semaphore, #tpu.memory_space<semaphore_mem>>) {add = true}
      %dma_wait3A_111 = arith.constant 0 : i32
      %dma_wait3A_112 = tpu.memref_slice %arg10[%add3A_45, %dma_wait3A_111] : memref<160x125xi32, #tpu.memory_space<vmem>> -> memref<1x125xi32, #tpu.memory_space<vmem>>
      %dma_wait3A_113 = tpu.memref_squeeze %dma_wait3A_112 : memref<1x125xi32, #tpu.memory_space<vmem>> -> memref<125xi32, #tpu.memory_space<vmem>>
      %dma_wait3A_114 = arith.constant 0 : i32
      %dma_wait3A_115 = arith.constant 0 : i32
      %dma_wait3A_116 = tpu.memref_slice %arg4[%dma_wait3A_114, %dma_wait3A_115] : memref<100000x64xf32, #tpu.memory_space<hbm>> -> memref<100000x64xf32, #tpu.memory_space<hbm>>
      tpu.wait_indirect_dma semaphore(%arg23 : memref<!tpu.dma_semaphore, #tpu.memory_space<semaphore_mem>>) src(%dma_wait3A_116 : memref<100000x64xf32, #tpu.memory_space<hbm>>) dst(%arg14 : memref<125x64xf32, #tpu.memory_space<vmem>>)
      %add3A_117 = arith.constant 2 : i32
      %add3A_118 = arith.addi %mul3A_28, %add3A_117 : i32
      %dma_start3A_119 = arith.constant 0 : i32
      %dma_start3A_120 = tpu.memref_slice %arg11[%add3A_118, %dma_start3A_119] : memref<160x125xi32, #tpu.memory_space<vmem>> -> memref<1x125xi32, #tpu.memory_space<vmem>>
      %dma_start3A_121 = tpu.memref_squeeze %dma_start3A_120 : memref<1x125xi32, #tpu.memory_space<vmem>> -> memref<125xi32, #tpu.memory_space<vmem>>
      %dma_start3A_122 = arith.constant 0 : i32
      %dma_start3A_123 = arith.constant 0 : i32
      %dma_start3A_124 = tpu.memref_slice %arg19[%dma_start3A_122, %dma_start3A_123] : memref<10000x64xf32, #tpu.memory_space<vmem_shared>> -> memref<10000x64xf32, #tpu.memory_space<vmem_shared>>
      tpu.enqueue_indirect_dma source(%arg14 : memref<125x64xf32, #tpu.memory_space<vmem>>) target(%dma_start3A_124 : memref<10000x64xf32, #tpu.memory_space<vmem_shared>>) offsets(%dma_start3A_121 : memref<125xi32, #tpu.memory_space<vmem>>) semaphore(%arg28 : memref<!tpu.dma_semaphore, #tpu.memory_space<semaphore_mem>>) {add = true}
      %add3A_125 = arith.constant 2 : i32
      %add3A_126 = arith.addi %mul3A_28, %add3A_125 : i32
      %dma_start3A_127 = arith.constant 0 : i32
      %dma_start3A_128 = tpu.memref_slice %arg11[%add3A_126, %dma_start3A_127] : memref<160x125xi32, #tpu.memory_space<vmem>> -> memref<1x125xi32, #tpu.memory_space<vmem>>
      %dma_start3A_129 = tpu.memref_squeeze %dma_start3A_128 : memref<1x125xi32, #tpu.memory_space<vmem>> -> memref<125xi32, #tpu.memory_space<vmem>>
      %dma_start3A_130 = arith.constant 0 : i32
      %dma_start3A_131 = arith.constant 0 : i32
      %dma_start3A_132 = tpu.memref_slice %arg20[%dma_start3A_130, %dma_start3A_131] : memref<10000x8xf32, #tpu.memory_space<vmem_shared>> -> memref<10000x8xf32, #tpu.memory_space<vmem_shared>>
      tpu.enqueue_indirect_dma source(%arg18 : memref<125x8xf32, #tpu.memory_space<vmem>>) target(%dma_start3A_132 : memref<10000x8xf32, #tpu.memory_space<vmem_shared>>) offsets(%dma_start3A_129 : memref<125xi32, #tpu.memory_space<vmem>>) semaphore(%arg31 : memref<!tpu.dma_semaphore, #tpu.memory_space<semaphore_mem>>) {add = true}
      %dma_wait3A_133 = arith.constant 0 : i32
      %dma_wait3A_134 = tpu.memref_slice %arg10[%add3A_53, %dma_wait3A_133] : memref<160x125xi32, #tpu.memory_space<vmem>> -> memref<1x125xi32, #tpu.memory_space<vmem>>
      %dma_wait3A_135 = tpu.memref_squeeze %dma_wait3A_134 : memref<1x125xi32, #tpu.memory_space<vmem>> -> memref<125xi32, #tpu.memory_space<vmem>>
      %dma_wait3A_136 = arith.constant 0 : i32
      %dma_wait3A_137 = arith.constant 0 : i32
      %dma_wait3A_138 = tpu.memref_slice %arg4[%dma_wait3A_136, %dma_wait3A_137] : memref<100000x64xf32, #tpu.memory_space<hbm>> -> memref<100000x64xf32, #tpu.memory_space<hbm>>
      tpu.wait_indirect_dma semaphore(%arg24 : memref<!tpu.dma_semaphore, #tpu.memory_space<semaphore_mem>>) src(%dma_wait3A_138 : memref<100000x64xf32, #tpu.memory_space<hbm>>) dst(%arg15 : memref<125x64xf32, #tpu.memory_space<vmem>>)
      %add3A_139 = arith.constant 3 : i32
      %add3A_140 = arith.addi %mul3A_28, %add3A_139 : i32
      %dma_start3A_141 = arith.constant 0 : i32
      %dma_start3A_142 = tpu.memref_slice %arg11[%add3A_140, %dma_start3A_141] : memref<160x125xi32, #tpu.memory_space<vmem>> -> memref<1x125xi32, #tpu.memory_space<vmem>>
      %dma_start3A_143 = tpu.memref_squeeze %dma_start3A_142 : memref<1x125xi32, #tpu.memory_space<vmem>> -> memref<125xi32, #tpu.memory_space<vmem>>
      %dma_start3A_144 = arith.constant 0 : i32
      %dma_start3A_145 = arith.constant 0 : i32
      %dma_start3A_146 = tpu.memref_slice %arg19[%dma_start3A_144, %dma_start3A_145] : memref<10000x64xf32, #tpu.memory_space<vmem_shared>> -> memref<10000x64xf32, #tpu.memory_space<vmem_shared>>
      tpu.enqueue_indirect_dma source(%arg15 : memref<125x64xf32, #tpu.memory_space<vmem>>) target(%dma_start3A_146 : memref<10000x64xf32, #tpu.memory_space<vmem_shared>>) offsets(%dma_start3A_143 : memref<125xi32, #tpu.memory_space<vmem>>) semaphore(%arg29 : memref<!tpu.dma_semaphore, #tpu.memory_space<semaphore_mem>>) {add = true}
      %add3A_147 = arith.constant 3 : i32
      %add3A_148 = arith.addi %mul3A_28, %add3A_147 : i32
      %dma_start3A_149 = arith.constant 0 : i32
      %dma_start3A_150 = tpu.memref_slice %arg11[%add3A_148, %dma_start3A_149] : memref<160x125xi32, #tpu.memory_space<vmem>> -> memref<1x125xi32, #tpu.memory_space<vmem>>
      %dma_start3A_151 = tpu.memref_squeeze %dma_start3A_150 : memref<1x125xi32, #tpu.memory_space<vmem>> -> memref<125xi32, #tpu.memory_space<vmem>>
      %dma_start3A_152 = arith.constant 0 : i32
      %dma_start3A_153 = arith.constant 0 : i32
      %dma_start3A_154 = tpu.memref_slice %arg20[%dma_start3A_152, %dma_start3A_153] : memref<10000x8xf32, #tpu.memory_space<vmem_shared>> -> memref<10000x8xf32, #tpu.memory_space<vmem_shared>>
      tpu.enqueue_indirect_dma source(%arg18 : memref<125x8xf32, #tpu.memory_space<vmem>>) target(%dma_start3A_154 : memref<10000x8xf32, #tpu.memory_space<vmem_shared>>) offsets(%dma_start3A_151 : memref<125xi32, #tpu.memory_space<vmem>>) semaphore(%arg31 : memref<!tpu.dma_semaphore, #tpu.memory_space<semaphore_mem>>) {add = true}
      %dma_wait3A_155 = arith.constant 0 : i32
      %dma_wait3A_156 = tpu.memref_slice %arg10[%add3A_61, %dma_wait3A_155] : memref<160x125xi32, #tpu.memory_space<vmem>> -> memref<1x125xi32, #tpu.memory_space<vmem>>
      %dma_wait3A_157 = tpu.memref_squeeze %dma_wait3A_156 : memref<1x125xi32, #tpu.memory_space<vmem>> -> memref<125xi32, #tpu.memory_space<vmem>>
      %dma_wait3A_158 = arith.constant 0 : i32
      %dma_wait3A_159 = arith.constant 0 : i32
      %dma_wait3A_160 = tpu.memref_slice %arg4[%dma_wait3A_158, %dma_wait3A_159] : memref<100000x64xf32, #tpu.memory_space<hbm>> -> memref<100000x64xf32, #tpu.memory_space<hbm>>
      tpu.wait_indirect_dma semaphore(%arg25 : memref<!tpu.dma_semaphore, #tpu.memory_space<semaphore_mem>>) src(%dma_wait3A_160 : memref<100000x64xf32, #tpu.memory_space<hbm>>) dst(%arg16 : memref<125x64xf32, #tpu.memory_space<vmem>>)
      %add3A_161 = arith.constant 4 : i32
      %add3A_162 = arith.addi %mul3A_28, %add3A_161 : i32
      %dma_start3A_163 = arith.constant 0 : i32
      %dma_start3A_164 = tpu.memref_slice %arg11[%add3A_162, %dma_start3A_163] : memref<160x125xi32, #tpu.memory_space<vmem>> -> memref<1x125xi32, #tpu.memory_space<vmem>>
      %dma_start3A_165 = tpu.memref_squeeze %dma_start3A_164 : memref<1x125xi32, #tpu.memory_space<vmem>> -> memref<125xi32, #tpu.memory_space<vmem>>
      %dma_start3A_166 = arith.constant 0 : i32
      %dma_start3A_167 = arith.constant 0 : i32
      %dma_start3A_168 = tpu.memref_slice %arg19[%dma_start3A_166, %dma_start3A_167] : memref<10000x64xf32, #tpu.memory_space<vmem_shared>> -> memref<10000x64xf32, #tpu.memory_space<vmem_shared>>
      tpu.enqueue_indirect_dma source(%arg16 : memref<125x64xf32, #tpu.memory_space<vmem>>) target(%dma_start3A_168 : memref<10000x64xf32, #tpu.memory_space<vmem_shared>>) offsets(%dma_start3A_165 : memref<125xi32, #tpu.memory_space<vmem>>) semaphore(%arg30 : memref<!tpu.dma_semaphore, #tpu.memory_space<semaphore_mem>>) {add = true}
      %add3A_169 = arith.constant 4 : i32
      %add3A_170 = arith.addi %mul3A_28, %add3A_169 : i32
      %dma_start3A_171 = arith.constant 0 : i32
      %dma_start3A_172 = tpu.memref_slice %arg11[%add3A_170, %dma_start3A_171] : memref<160x125xi32, #tpu.memory_space<vmem>> -> memref<1x125xi32, #tpu.memory_space<vmem>>
      %dma_start3A_173 = tpu.memref_squeeze %dma_start3A_172 : memref<1x125xi32, #tpu.memory_space<vmem>> -> memref<125xi32, #tpu.memory_space<vmem>>
      %dma_start3A_174 = arith.constant 0 : i32
      %dma_start3A_175 = arith.constant 0 : i32
      %dma_start3A_176 = tpu.memref_slice %arg20[%dma_start3A_174, %dma_start3A_175] : memref<10000x8xf32, #tpu.memory_space<vmem_shared>> -> memref<10000x8xf32, #tpu.memory_space<vmem_shared>>
      tpu.enqueue_indirect_dma source(%arg18 : memref<125x8xf32, #tpu.memory_space<vmem>>) target(%dma_start3A_176 : memref<10000x8xf32, #tpu.memory_space<vmem_shared>>) offsets(%dma_start3A_173 : memref<125xi32, #tpu.memory_space<vmem>>) semaphore(%arg31 : memref<!tpu.dma_semaphore, #tpu.memory_space<semaphore_mem>>) {add = true}
      %dma_wait3A_177 = arith.constant 0 : i32
      %dma_wait3A_178 = tpu.memref_slice %arg11[%add3A_74, %dma_wait3A_177] : memref<160x125xi32, #tpu.memory_space<vmem>> -> memref<1x125xi32, #tpu.memory_space<vmem>>
      %dma_wait3A_179 = tpu.memref_squeeze %dma_wait3A_178 : memref<1x125xi32, #tpu.memory_space<vmem>> -> memref<125xi32, #tpu.memory_space<vmem>>
      %dma_wait3A_180 = arith.constant 0 : i32
      %dma_wait3A_181 = arith.constant 0 : i32
      %dma_wait3A_182 = tpu.memref_slice %arg19[%dma_wait3A_180, %dma_wait3A_181] : memref<10000x64xf32, #tpu.memory_space<vmem_shared>> -> memref<10000x64xf32, #tpu.memory_space<vmem_shared>>
      tpu.wait_indirect_dma semaphore(%arg26 : memref<!tpu.dma_semaphore, #tpu.memory_space<semaphore_mem>>) src(%arg12 : memref<125x64xf32, #tpu.memory_space<vmem>>) dst(%dma_wait3A_182 : memref<10000x64xf32, #tpu.memory_space<vmem_shared>>)
      %dma_wait3A_183 = arith.constant 0 : i32
      %dma_wait3A_184 = tpu.memref_slice %arg11[%add3A_82, %dma_wait3A_183] : memref<160x125xi32, #tpu.memory_space<vmem>> -> memref<1x125xi32, #tpu.memory_space<vmem>>
      %dma_wait3A_185 = tpu.memref_squeeze %dma_wait3A_184 : memref<1x125xi32, #tpu.memory_space<vmem>> -> memref<125xi32, #tpu.memory_space<vmem>>
      %dma_wait3A_186 = arith.constant 0 : i32
      %dma_wait3A_187 = arith.constant 0 : i32
      %dma_wait3A_188 = tpu.memref_slice %arg20[%dma_wait3A_186, %dma_wait3A_187] : memref<10000x8xf32, #tpu.memory_space<vmem_shared>> -> memref<10000x8xf32, #tpu.memory_space<vmem_shared>>
      tpu.wait_indirect_dma semaphore(%arg31 : memref<!tpu.dma_semaphore, #tpu.memory_space<semaphore_mem>>) src(%arg18 : memref<125x8xf32, #tpu.memory_space<vmem>>) dst(%dma_wait3A_188 : memref<10000x8xf32, #tpu.memory_space<vmem_shared>>)
      %dma_wait3A_189 = arith.constant 0 : i32
      %dma_wait3A_190 = tpu.memref_slice %arg11[%add3A_96, %dma_wait3A_189] : memref<160x125xi32, #tpu.memory_space<vmem>> -> memref<1x125xi32, #tpu.memory_space<vmem>>
      %dma_wait3A_191 = tpu.memref_squeeze %dma_wait3A_190 : memref<1x125xi32, #tpu.memory_space<vmem>> -> memref<125xi32, #tpu.memory_space<vmem>>
      %dma_wait3A_192 = arith.constant 0 : i32
      %dma_wait3A_193 = arith.constant 0 : i32
      %dma_wait3A_194 = tpu.memref_slice %arg19[%dma_wait3A_192, %dma_wait3A_193] : memref<10000x64xf32, #tpu.memory_space<vmem_shared>> -> memref<10000x64xf32, #tpu.memory_space<vmem_shared>>
      tpu.wait_indirect_dma semaphore(%arg27 : memref<!tpu.dma_semaphore, #tpu.memory_space<semaphore_mem>>) src(%arg13 : memref<125x64xf32, #tpu.memory_space<vmem>>) dst(%dma_wait3A_194 : memref<10000x64xf32, #tpu.memory_space<vmem_shared>>)
      %dma_wait3A_195 = arith.constant 0 : i32
      %dma_wait3A_196 = tpu.memref_slice %arg11[%add3A_104, %dma_wait3A_195] : memref<160x125xi32, #tpu.memory_space<vmem>> -> memref<1x125xi32, #tpu.memory_space<vmem>>
      %dma_wait3A_197 = tpu.memref_squeeze %dma_wait3A_196 : memref<1x125xi32, #tpu.memory_space<vmem>> -> memref<125xi32, #tpu.memory_space<vmem>>
      %dma_wait3A_198 = arith.constant 0 : i32
      %dma_wait3A_199 = arith.constant 0 : i32
      %dma_wait3A_200 = tpu.memref_slice %arg20[%dma_wait3A_198, %dma_wait3A_199] : memref<10000x8xf32, #tpu.memory_space<vmem_shared>> -> memref<10000x8xf32, #tpu.memory_space<vmem_shared>>
      tpu.wait_indirect_dma semaphore(%arg31 : memref<!tpu.dma_semaphore, #tpu.memory_space<semaphore_mem>>) src(%arg18 : memref<125x8xf32, #tpu.memory_space<vmem>>) dst(%dma_wait3A_200 : memref<10000x8xf32, #tpu.memory_space<vmem_shared>>)
      %dma_wait3A_201 = arith.constant 0 : i32
      %dma_wait3A_202 = tpu.memref_slice %arg11[%add3A_118, %dma_wait3A_201] : memref<160x125xi32, #tpu.memory_space<vmem>> -> memref<1x125xi32, #tpu.memory_space<vmem>>
      %dma_wait3A_203 = tpu.memref_squeeze %dma_wait3A_202 : memref<1x125xi32, #tpu.memory_space<vmem>> -> memref<125xi32, #tpu.memory_space<vmem>>
      %dma_wait3A_204 = arith.constant 0 : i32
      %dma_wait3A_205 = arith.constant 0 : i32
      %dma_wait3A_206 = tpu.memref_slice %arg19[%dma_wait3A_204, %dma_wait3A_205] : memref<10000x64xf32, #tpu.memory_space<vmem_shared>> -> memref<10000x64xf32, #tpu.memory_space<vmem_shared>>
      tpu.wait_indirect_dma semaphore(%arg28 : memref<!tpu.dma_semaphore, #tpu.memory_space<semaphore_mem>>) src(%arg14 : memref<125x64xf32, #tpu.memory_space<vmem>>) dst(%dma_wait3A_206 : memref<10000x64xf32, #tpu.memory_space<vmem_shared>>)
      %dma_wait3A_207 = arith.constant 0 : i32
      %dma_wait3A_208 = tpu.memref_slice %arg11[%add3A_126, %dma_wait3A_207] : memref<160x125xi32, #tpu.memory_space<vmem>> -> memref<1x125xi32, #tpu.memory_space<vmem>>
      %dma_wait3A_209 = tpu.memref_squeeze %dma_wait3A_208 : memref<1x125xi32, #tpu.memory_space<vmem>> -> memref<125xi32, #tpu.memory_space<vmem>>
      %dma_wait3A_210 = arith.constant 0 : i32
      %dma_wait3A_211 = arith.constant 0 : i32
      %dma_wait3A_212 = tpu.memref_slice %arg20[%dma_wait3A_210, %dma_wait3A_211] : memref<10000x8xf32, #tpu.memory_space<vmem_shared>> -> memref<10000x8xf32, #tpu.memory_space<vmem_shared>>
      tpu.wait_indirect_dma semaphore(%arg31 : memref<!tpu.dma_semaphore, #tpu.memory_space<semaphore_mem>>) src(%arg18 : memref<125x8xf32, #tpu.memory_space<vmem>>) dst(%dma_wait3A_212 : memref<10000x8xf32, #tpu.memory_space<vmem_shared>>)
      %dma_wait3A_213 = arith.constant 0 : i32
      %dma_wait3A_214 = tpu.memref_slice %arg11[%add3A_140, %dma_wait3A_213] : memref<160x125xi32, #tpu.memory_space<vmem>> -> memref<1x125xi32, #tpu.memory_space<vmem>>
      %dma_wait3A_215 = tpu.memref_squeeze %dma_wait3A_214 : memref<1x125xi32, #tpu.memory_space<vmem>> -> memref<125xi32, #tpu.memory_space<vmem>>
      %dma_wait3A_216 = arith.constant 0 : i32
      %dma_wait3A_217 = arith.constant 0 : i32
      %dma_wait3A_218 = tpu.memref_slice %arg19[%dma_wait3A_216, %dma_wait3A_217] : memref<10000x64xf32, #tpu.memory_space<vmem_shared>> -> memref<10000x64xf32, #tpu.memory_space<vmem_shared>>
      tpu.wait_indirect_dma semaphore(%arg29 : memref<!tpu.dma_semaphore, #tpu.memory_space<semaphore_mem>>) src(%arg15 : memref<125x64xf32, #tpu.memory_space<vmem>>) dst(%dma_wait3A_218 : memref<10000x64xf32, #tpu.memory_space<vmem_shared>>)
      %dma_wait3A_219 = arith.constant 0 : i32
      %dma_wait3A_220 = tpu.memref_slice %arg11[%add3A_148, %dma_wait3A_219] : memref<160x125xi32, #tpu.memory_space<vmem>> -> memref<1x125xi32, #tpu.memory_space<vmem>>
      %dma_wait3A_221 = tpu.memref_squeeze %dma_wait3A_220 : memref<1x125xi32, #tpu.memory_space<vmem>> -> memref<125xi32, #tpu.memory_space<vmem>>
      %dma_wait3A_222 = arith.constant 0 : i32
      %dma_wait3A_223 = arith.constant 0 : i32
      %dma_wait3A_224 = tpu.memref_slice %arg20[%dma_wait3A_222, %dma_wait3A_223] : memref<10000x8xf32, #tpu.memory_space<vmem_shared>> -> memref<10000x8xf32, #tpu.memory_space<vmem_shared>>
      tpu.wait_indirect_dma semaphore(%arg31 : memref<!tpu.dma_semaphore, #tpu.memory_space<semaphore_mem>>) src(%arg18 : memref<125x8xf32, #tpu.memory_space<vmem>>) dst(%dma_wait3A_224 : memref<10000x8xf32, #tpu.memory_space<vmem_shared>>)
      %dma_wait3A_225 = arith.constant 0 : i32
      %dma_wait3A_226 = tpu.memref_slice %arg11[%add3A_162, %dma_wait3A_225] : memref<160x125xi32, #tpu.memory_space<vmem>> -> memref<1x125xi32, #tpu.memory_space<vmem>>
      %dma_wait3A_227 = tpu.memref_squeeze %dma_wait3A_226 : memref<1x125xi32, #tpu.memory_space<vmem>> -> memref<125xi32, #tpu.memory_space<vmem>>
      %dma_wait3A_228 = arith.constant 0 : i32
      %dma_wait3A_229 = arith.constant 0 : i32
      %dma_wait3A_230 = tpu.memref_slice %arg19[%dma_wait3A_228, %dma_wait3A_229] : memref<10000x64xf32, #tpu.memory_space<vmem_shared>> -> memref<10000x64xf32, #tpu.memory_space<vmem_shared>>
      tpu.wait_indirect_dma semaphore(%arg30 : memref<!tpu.dma_semaphore, #tpu.memory_space<semaphore_mem>>) src(%arg16 : memref<125x64xf32, #tpu.memory_space<vmem>>) dst(%dma_wait3A_230 : memref<10000x64xf32, #tpu.memory_space<vmem_shared>>)
      %dma_wait3A_231 = arith.constant 0 : i32
      %dma_wait3A_232 = tpu.memref_slice %arg11[%add3A_170, %dma_wait3A_231] : memref<160x125xi32, #tpu.memory_space<vmem>> -> memref<1x125xi32, #tpu.memory_space<vmem>>
      %dma_wait3A_233 = tpu.memref_squeeze %dma_wait3A_232 : memref<1x125xi32, #tpu.memory_space<vmem>> -> memref<125xi32, #tpu.memory_space<vmem>>
      %dma_wait3A_234 = arith.constant 0 : i32
      %dma_wait3A_235 = arith.constant 0 : i32
      %dma_wait3A_236 = tpu.memref_slice %arg20[%dma_wait3A_234, %dma_wait3A_235] : memref<10000x8xf32, #tpu.memory_space<vmem_shared>> -> memref<10000x8xf32, #tpu.memory_space<vmem_shared>>
      tpu.wait_indirect_dma semaphore(%arg31 : memref<!tpu.dma_semaphore, #tpu.memory_space<semaphore_mem>>) src(%arg18 : memref<125x8xf32, #tpu.memory_space<vmem>>) dst(%dma_wait3A_236 : memref<10000x8xf32, #tpu.memory_space<vmem_shared>>)
    }
    %scan3A_24 = arith.constant 32 : i32
    %barrier3A_25 = arith.constant 0 : index
    tpu.barrier barrier_id(%barrier3A_25)
    "tpu.region"() ({
      %run_scoped3A = tpu.sem_alloc : memref<!tpu.dma_semaphore, #tpu.memory_space<semaphore_mem>>
      %dma_start3A = arith.constant 0 : i32
      %dma_start3A_26 = tpu.memref_slice %arg8[%arg0, %mul3A_0, %dma_start3A] : memref<2x10000x64xf32, #tpu.memory_space<hbm>> -> memref<1x625x64xf32, #tpu.memory_space<hbm>>
      %dma_start3A_27 = tpu.memref_squeeze %dma_start3A_26 : memref<1x625x64xf32, #tpu.memory_space<hbm>> -> memref<625x64xf32, #tpu.memory_space<hbm>>
      %dma_start3A_28 = arith.constant 0 : i32
      %dma_start3A_29 = tpu.memref_slice %arg19[%mul3A_0, %dma_start3A_28] : memref<10000x64xf32, #tpu.memory_space<vmem_shared>> -> memref<625x64xf32, #tpu.memory_space<vmem_shared>>
      tpu.enqueue_dma source(%dma_start3A_29 : memref<625x64xf32, #tpu.memory_space<vmem_shared>>) target(%dma_start3A_27 : memref<625x64xf32, #tpu.memory_space<hbm>>) target_semaphore(%run_scoped3A : memref<!tpu.dma_semaphore, #tpu.memory_space<semaphore_mem>>)
      %dma_wait3A = arith.constant 0 : i32
      %dma_wait3A_30 = tpu.memref_slice %arg8[%arg0, %mul3A_0, %dma_wait3A] : memref<2x10000x64xf32, #tpu.memory_space<hbm>> -> memref<1x625x64xf32, #tpu.memory_space<hbm>>
      %dma_wait3A_31 = tpu.memref_squeeze %dma_wait3A_30 : memref<1x625x64xf32, #tpu.memory_space<hbm>> -> memref<625x64xf32, #tpu.memory_space<hbm>>
      %dma_wait3A_32 = arith.constant 0 : i32
      %dma_wait3A_33 = tpu.memref_slice %arg19[%mul3A_0, %dma_wait3A_32] : memref<10000x64xf32, #tpu.memory_space<vmem_shared>> -> memref<625x64xf32, #tpu.memory_space<vmem_shared>>
      tpu.wait_dma2 semaphore(%run_scoped3A : memref<!tpu.dma_semaphore, #tpu.memory_space<semaphore_mem>>) src(%dma_wait3A_33 : memref<625x64xf32, #tpu.memory_space<vmem_shared>>) dst(%dma_wait3A_31 : memref<625x64xf32, #tpu.memory_space<hbm>>)
      tpu.yield
    }) : () -> ()
    "tpu.region"() ({
      %run_scoped3A = tpu.sem_alloc : memref<!tpu.dma_semaphore, #tpu.memory_space<semaphore_mem>>
      %dma_start3A = arith.constant 0 : i32
      %dma_start3A_26 = tpu.memref_slice %arg9[%arg0, %mul3A_0, %dma_start3A] : memref<2x10000x8xf32, #tpu.memory_space<hbm>> -> memref<1x625x8xf32, #tpu.memory_space<hbm>>
      %dma_start3A_27 = tpu.memref_squeeze %dma_start3A_26 : memref<1x625x8xf32, #tpu.memory_space<hbm>> -> memref<625x8xf32, #tpu.memory_space<hbm>>
      %dma_start3A_28 = arith.constant 0 : i32
      %dma_start3A_29 = tpu.memref_slice %arg20[%mul3A_0, %dma_start3A_28] : memref<10000x8xf32, #tpu.memory_space<vmem_shared>> -> memref<625x8xf32, #tpu.memory_space<vmem_shared>>
      tpu.enqueue_dma source(%dma_start3A_29 : memref<625x8xf32, #tpu.memory_space<vmem_shared>>) target(%dma_start3A_27 : memref<625x8xf32, #tpu.memory_space<hbm>>) target_semaphore(%run_scoped3A : memref<!tpu.dma_semaphore, #tpu.memory_space<semaphore_mem>>)
      %dma_wait3A = arith.constant 0 : i32
      %dma_wait3A_30 = tpu.memref_slice %arg9[%arg0, %mul3A_0, %dma_wait3A] : memref<2x10000x8xf32, #tpu.memory_space<hbm>> -> memref<1x625x8xf32, #tpu.memory_space<hbm>>
      %dma_wait3A_31 = tpu.memref_squeeze %dma_wait3A_30 : memref<1x625x8xf32, #tpu.memory_space<hbm>> -> memref<625x8xf32, #tpu.memory_space<hbm>>
      %dma_wait3A_32 = arith.constant 0 : i32
      %dma_wait3A_33 = tpu.memref_slice %arg20[%mul3A_0, %dma_wait3A_32] : memref<10000x8xf32, #tpu.memory_space<vmem_shared>> -> memref<625x8xf32, #tpu.memory_space<vmem_shared>>
      tpu.wait_dma2 semaphore(%run_scoped3A : memref<!tpu.dma_semaphore, #tpu.memory_space<semaphore_mem>>) src(%dma_wait3A_33 : memref<625x8xf32, #tpu.memory_space<vmem_shared>>) dst(%dma_wait3A_31 : memref<625x8xf32, #tpu.memory_space<hbm>>)
      tpu.yield
    }) : () -> ()
    return
  }
}

module attributes {stable_mosaic.version = 14 : i64} {
  func.func @_combine_kernel(%arg0: i32, %arg1: memref<2000x64xf32, #tpu.memory_space<vmem>>, %arg2: memref<2000x64xf32, #tpu.memory_space<vmem>>, %arg3: memref<2000x8xf32, #tpu.memory_space<vmem>>, %arg4: memref<2000x8xf32, #tpu.memory_space<vmem>>, %arg5: memref<2000x128xf32, #tpu.memory_space<vmem>>) attributes {dimension_semantics = [#tpu.dimension_semantics<arbitrary>], iteration_bounds = array<i64: 5>, scalar_prefetch = 0 : i64, scratch_operands = 0 : i64, tpu.core_type = #tpu.core_type<tc>, window_params = [{transform_indices = @transform_0, window_bounds = array<i64: 2000, 64>}, {transform_indices = @transform_1, window_bounds = array<i64: 2000, 64>}, {transform_indices = @transform_2, window_bounds = array<i64: 2000, 8>}, {transform_indices = @transform_3, window_bounds = array<i64: 2000, 8>}, {transform_indices = @transform_4, window_bounds = array<i64: 2000, 128>}]} {
    %get3A = arith.constant 0 : index
    %get3A_0 = arith.constant 0 : index
    %get3A_1 = vector.load %arg3[%get3A, %get3A_0] : memref<2000x8xf32, #tpu.memory_space<vmem>>, vector<2000x1xf32>
    %get3A_2 = arith.constant 0 : index
    %get3A_3 = arith.constant 0 : index
    %get3A_4 = vector.load %arg4[%get3A_2, %get3A_3] : memref<2000x8xf32, #tpu.memory_space<vmem>>, vector<2000x1xf32>
    %add3A = arith.addf %get3A_1, %get3A_4 : vector<2000x1xf32>
    %mul3A = arith.constant 5.000000e-01 : f32
    %mul3A_5 = vector.broadcast %mul3A : f32 to vector<2000x1xf32>
    %mul3A_6 = arith.mulf %add3A, %mul3A_5 : vector<2000x1xf32>
    %max3A = arith.constant 1.000000e+00 : f32
    %max3A_7 = vector.broadcast %max3A : f32 to vector<2000x1xf32>
    %max3A_8 = arith.maximumf %mul3A_6, %max3A_7 : vector<2000x1xf32>
    %get3A_9 = arith.constant 0 : index
    %get3A_10 = arith.constant 0 : index
    %get3A_11 = vector.load %arg1[%get3A_9, %get3A_10] : memref<2000x64xf32, #tpu.memory_space<vmem>>, vector<2000x64xf32>
    %get3A_12 = arith.constant 0 : index
    %get3A_13 = arith.constant 0 : index
    %get3A_14 = vector.load %arg2[%get3A_12, %get3A_13] : memref<2000x64xf32, #tpu.memory_space<vmem>>, vector<2000x64xf32>
    %concatenate3A = tpu.concatenate %get3A_11, %get3A_14 in 1 : vector<2000x64xf32>, vector<2000x64xf32> -> vector<2000x128xf32>
    %div3A = vector.broadcast %max3A_8 : vector<2000x1xf32> to vector<2000x128xf32>
    %div3A_15 = arith.divf %concatenate3A, %div3A : vector<2000x128xf32>
    %swap3A = arith.constant 0 : index
    %swap3A_16 = arith.constant 0 : index
    %swap3A_17 = vector.load %arg5[%swap3A, %swap3A_16] : memref<2000x128xf32, #tpu.memory_space<vmem>>, vector<2000x128xf32>
    tpu.vector_store %arg5[%swap3A, %swap3A_16], %div3A_15 {strides = array<i32>} : memref<2000x128xf32, #tpu.memory_space<vmem>>, vector<2000x128xf32>,
    return
  }
  func.func @transform_0(%arg0: i32) -> (i32, i32) {
    %c0_i32 = arith.constant 0 : i32
    %c0_i32_0 = arith.constant 0 : i32
    return %arg0, %c0_i32 : i32, i32
  }
  func.func @transform_1(%arg0: i32) -> (i32, i32) {
    %c0_i32 = arith.constant 0 : i32
    %c0_i32_0 = arith.constant 0 : i32
    return %arg0, %c0_i32 : i32, i32
  }
  func.func @transform_2(%arg0: i32) -> (i32, i32) {
    %c0_i32 = arith.constant 0 : i32
    %c0_i32_0 = arith.constant 0 : i32
    return %arg0, %c0_i32 : i32, i32
  }
  func.func @transform_3(%arg0: i32) -> (i32, i32) {
    %c0_i32 = arith.constant 0 : i32
    %c0_i32_0 = arith.constant 0 : i32
    return %arg0, %c0_i32 : i32, i32
  }
  func.func @transform_4(%arg0: i32) -> (i32, i32) {
    %c0_i32 = arith.constant 0 : i32
    %c0_i32_0 = arith.constant 0 : i32
    return %arg0, %c0_i32 : i32, i32
  }
}

</mosaic_0001>

<sc_bundles>
// kernel: kernel.4.cloned.1.call-start
scs
__scs_entry_jumppad:
0x0: {  	(pc) =	sbr.rel $0x88, $3  }
0x1: {  	(tag) =	ssettag $0x0;
	lr =	simm.s32 $0x1  }
0x2: {  	[smem:$0x3F9D] =	sst lr;
	_ =	strace $0xD0000000  }
0x3: {  	_ = 	snop  }
0x4: {  	_ = 	snop  }
0x5: {  	_ = 	snop  }
0x6: {  	_ = 	snop  }
0x7: {  	_ = 	snop  }
__scs_overlays_trampoline_lowered:
0x8: {  	[smem:$0x3FAC] =	sst s0  }
0x9: {  	[smem:$0x3FAD] =	sst s1  }
0xa: {  	[smem:$0x3FAE] =	sst s2  }
0xb: {  	[smem:$0x3FAF] =	sst s3  }
0xc: {  	[smem:$0x3FB0] =	sst s4  }
0xd: {  	[smem:$0x3FB1] =	sst s5  }
0xe: {  	[smem:$0x3FB2] =	sst s6  }
0xf: {  	[smem:$0x3FB3] =	sst s7  }
0x10: {  	[smem:$0x3FB4] =	sst s8  }
0x11: {  	[smem:$0x3FB5] =	sst s9;
	s0 =	simm.s32 @!p0 $0x0  }
0x12: {  	s1 =	sld [smem:$0x3F9B];
	s0 =	simm.s32 @p0 $0x1  }
0x13: {  	[smem:$0x3FB6] =	sst s0;
	s0 =	simm.s32 @!p1 $0x0  }
0x14: {  	s2 =	sld [smem:$0x3F9A];
	s0 =	simm.s32 @p1 $0x1  }
0x15: {  	[smem:$0x3FB7] =	sst s0;
	s0 =	simm.s32 @!p2 $0x0  }
0x16: {  	s3 =	sld [smem:$0x3FDB];
	s0 =	simm.s32 @p2 $0x1  }
0x17: {  	s4 =	simm.s32 $0x1BF5;
	[smem:$0x3FB9] =	sst s0  }
0x18: {  	s0 =	sld [smem:$0x3F9C];
	_ =	swait.ge [sflag:s4], $0x0  }
0x19: {  	s7 =	sld [smem:$0x3F9D]  }
0x1a: {  	s8 =	sadd.s32 $0xFFFFE003, lr  }
0x1b: {  	s9 =	sadd.s32 $0xFFFFFEF7, lr;
	s5 =	simm.s32 $0xFFFFFFFF;
	p2 =	slt.u32 s8, $0xFFFFF086  }
0x1c: {  	p1 =	slt.u32 s9, $0xF7A;
	s5 =	simm.s32 @!p2 $0x0  }
0x1d: {  	s5 =	simm.s32 @p1 $0x1;
	p0 =	seq.s32 s7, s2  }
0x1e: {  	s7 =	smul.u32 @!p0 $0xF7A, s2;
	p2 =	seq.s32 @!p0 s5, $0x0  }
0x1f: {  	s9 =	smul.u32 $0xF7A, s1;
	s8 =	simm.s32 @!p0 $0x1BF5;
	p2 =	por !p2, p0  }
0x20: {  	[sflag:s8] =	ssyncset.s32 @!p0 $0xFFFFF086;
	s6 =	sadd.s32 @!p0 s3, s7;
	s7 =	simm.s32 @!p0 $0x108  }
0x21: {  	s3 =	sadd.s32 s3, s9;
	s6 =	sadd.s32 @!p0 $0x88, s6;
	s7 =	simm.s32 @p2 $0x1082  }
0x22: {  	[simem:s7], [sflag:s8] =	dma.local @!p0 [hbm:s6], $0xF7A  }
0x23: {  	s9 =	sor.u32 $0xD0000000, s2;
	s6 =	simm.s32 $0x108;
	_ =	swait.ge @!p0 [sflag:s8], $0x0  }
0x24: {  	s3 =	sadd.s32 $0x88, s3;
	s6 =	simm.s32 @!p1 $0x1082;
	[sflag:s4] =	ssyncset.s32 $0xFFFFF086  }
0x25: {  	[simem:s6], [sflag:s4] =	dma.local [hbm:s3], $0xF7A  }
0x26: {  	[smem:$0x3F9D] =	sst s1;
	(tag) =	ssettag s2;
	_ =	strace s9  }
0x27: {  	s1 =	sld [smem:$0x3FAD]  }
0x28: {  	s2 =	sld [smem:$0x3FAE]  }
0x29: {  	s4 =	sld [smem:$0x3FB0]  }
0x2a: {  	p0 =	seq.s32 s5, $0x0;
	s5 =	sld [smem:$0x3FB1]  }
0x2b: {  	s6 =	sld [smem:$0x3FB2]  }
0x2c: {  	s7 =	sld [smem:$0x3FB3]  }
0x2d: {  	s3 =	simm.s32 $0x108;
	s8 =	sld [smem:$0x3FB4]  }
0x2e: {  	s3 =	simm.s32 @!p0 $0x1082;
	s9 =	sld [smem:$0x3FB5]  }
0x2f: {  	lr =	sadd.s32 s0, s3;
	s0 =	sld [smem:$0x3FAC]  }
0x30: {  	s3 =	sld [smem:$0x3FAF]  }
0x31: {  	[smem:$0x3FB8] =	sst s10  }
0x32: {  	s10 =	sld [smem:$0x3FB6];
	_ =	sdelay $0x3  }
0x33: {  	p0 =	seq.s32 s10, $0x1;
	s10 =	sld [smem:$0x3FB8];
	_ =	sdelay $0x3  }
0x34: {  	[smem:$0x3FB8] =	sst s10  }
0x35: {  	s10 =	sld [smem:$0x3FB7];
	_ =	sdelay $0x3  }
0x36: {  	p1 =	seq.s32 s10, $0x1;
	s10 =	sld [smem:$0x3FB8];
	_ =	sdelay $0x3  }
0x37: {  	[smem:$0x3FB8] =	sst s10  }
0x38: {  	s10 =	sld [smem:$0x3FB9]  }
0x39: {  	_ = 	snop;
	(pc) =	sbr.ind lr, $3  }
0x3a: {  	_ = 	snop  }
0x3b: {  	_ = 	snop  }
0x3c: {  	p2 =	seq.s32 s10, $0x1;
	s10 =	sld [smem:$0x3FB8]  }
0x3d: {  	_ =	shalt  }
0x3e: {  	_ =	shalt  }
0x3f: {  	_ =	shalt  }
0x40: {  	_ =	shalt  }
0x41: {  	_ =	shalt  }
0x42: {  	_ =	shalt  }
0x43: {  	_ =	shalt  }
0x44: {  	_ =	shalt  }
0x45: {  	_ =	shalt  }
0x46: {  	_ =	shalt  }
0x47: {  	_ =	shalt  }
0x48: {  	_ =	shalt  }
0x49: {  	_ =	shalt  }
0x4a: {  	_ =	shalt  }
0x4b: {  	_ =	shalt  }
0x4c: {  	_ =	shalt  }
0x4d: {  	_ =	shalt  }
0x4e: {  	_ =	shalt  }
0x4f: {  	_ =	shalt  }
0x50: {  	_ =	shalt  }
0x51: {  	_ =	shalt  }
0x52: {  	_ =	shalt  }
0x53: {  	_ =	shalt  }
0x54: {  	_ =	shalt  }
0x55: {  	_ =	shalt  }
0x56: {  	_ =	shalt  }
0x57: {  	_ =	shalt  }
0x58: {  	_ =	shalt  }
0x59: {  	_ =	shalt  }
0x5a: {  	_ =	shalt  }
0x5b: {  	_ =	shalt  }
0x5c: {  	_ =	shalt  }
0x5d: {  	_ =	shalt  }
0x5e: {  	_ =	shalt  }
0x5f: {  	_ =	shalt  }
0x60: {  	_ =	shalt  }
0x61: {  	_ =	shalt  }
0x62: {  	_ =	shalt  }
0x63: {  	_ =	shalt  }
0x64: {  	_ =	shalt  }
0x65: {  	_ =	shalt  }
0x66: {  	_ =	shalt  }
0x67: {  	_ =	shalt  }
0x68: {  	_ =	shalt  }
0x69: {  	_ =	shalt  }
0x6a: {  	_ =	shalt  }
0x6b: {  	_ =	shalt  }
0x6c: {  	_ =	shalt  }
0x6d: {  	_ =	shalt  }
0x6e: {  	_ =	shalt  }
0x6f: {  	_ =	shalt  }
0x70: {  	_ =	shalt  }
0x71: {  	_ =	shalt  }
0x72: {  	_ =	shalt  }
0x73: {  	_ =	shalt  }
0x74: {  	_ =	shalt  }
0x75: {  	_ =	shalt  }
0x76: {  	_ =	shalt  }
0x77: {  	_ =	shalt  }
0x78: {  	_ =	shalt  }
0x79: {  	_ =	shalt  }
0x7a: {  	_ =	shalt  }
0x7b: {  	_ =	shalt  }
0x7c: {  	_ =	shalt  }
0x7d: {  	_ =	shalt  }
0x7e: {  	_ =	shalt  }
0x7f: {  	_ =	shalt  }
0x80: {  	_ =	shalt  }
0x81: {  	_ =	shalt  }
0x82: {  	_ =	shalt  }
0x83: {  	_ =	shalt  }
0x84: {  	_ =	shalt  }
0x85: {  	_ =	shalt  }
0x86: {  	_ =	shalt  }
0x87: {  	_ =	shalt  }
.Lfunc_end0:
.L_simem_size_0:
called_computation_lowered:
.L_overlay_start_0:
0x88: {  	s2 =	sld [smem:$0x3FD9]  }
0x89: {  	s3 =	sld [smem:$0x3FFE];
	_ =	sdelay $0x1  }
0x8a: {  	s1 =	srdreg.scid  }
0x8b: {  	s0 =	sand.u32 $0x1, s1  }
0x8c: {  	s14 =	sshll.u32 s0, $0xA;
	s2 =	sadd.s32 s3, s2  }
0x8d: {  	s2 =	sadd.s32 s2, s14  }
0x8e: {  	[smem:$0x3FC4] =	sst s2  }
0x8f: {  	_ = 	snop  }
0x90: {  	s2 =	sld [smem:$0x3FD0];
	_ =	sdelay $0x2  }
0x91: {  	s4 =	simm.s32 $0xA;
	s5 =	simm.s32 $0x10;
	s15 =	sld [smem:$0x3FC8]  }
0x92: {  	[smem:s5], [sflag:s4] =	dma.local [hbm:s2], $0x1  }
0x93: {  	_ =	swait.eq [sflag:s4], $0x1  }
0x94: {  	[sflag:s4] =	ssyncset.done $0x0  }
0x95: {  	s16 =	sld [smem:$0x10];
	[sflag:s4] =	ssyncadd.s32 $0xFFFFFFFF  }
0x96: {  	s17 =	sld [smem:$0x11];
	(tm) =	ssettm $0x1  }
0x97: {  	s18 =	sld [smem:$0x3FFB];
	_ =	sdelay $0x3  }
0x98: {  	_ =	strace s18  }
0x99: {  	s5 =	sld [smem:$0x3FFC];
	_ =	sdelay $0x3  }
0x9a: {  	_ =	strace s5  }
0x9b: {  	s5 =	sld [smem:$0x3FFD];
	_ =	sdelay $0x3  }
0x9c: {  	_ =	strace s5  }
0x9d: {  	_ =	strace $0x8FFFFFFF  }
0x9e: {  	s19 =	sld [smem:$0x3FDB];
	_ =	sdelay $0x1  }
0x9f: {  	s6 =	simm.s32 $_scs_section_size  }
0xa0: {  	s7 =	simm.s32 $_size__tile_overlayer_lowered;
	s8 =	simm.s32 $_tile_overlayer_lowered  }
0xa1: {  	s22 =	simm.s32 $0x1BFF;
	s21 =	sshll.u32 s8, $0x1;
	s5 =	sadd.s32 s6, s19  }
0xa2: {  	s9 =	simm.s32 $0x0;
	s20 =	sshll.u32 s7, $0x1;
	s7 =	sadd.s32 s21, s5  }
0xa3: {  	[timem:s9], [sflag:s22] =	dma.local [hbm:s7], s20  }
0xa4: {  	_ =	swait.ge [sflag:s22], s20  }
0xa5: {  	s6 =	ssub.s32 $0x0, s20;
	[sflag:s22] =	ssyncset.done $0x0  }
0xa6: {  	[sflag:s22] =	ssyncadd.s32 s6;
	_ =	sdelay $0x1  }
0xa7: {  	s23 =	simm.s32 $0x1B8B  }
0xa8: {  	_ =	swait.ge [sflag:s23], $0x1  }
0xa9: {  	[sflag:s23] =	ssyncset.done $0x0  }
0xaa: {  	s25 =	simm.s32 $0x1B8E;
	s24 =	sld [smem:$0x3FFE];
	[sflag:s23] =	ssyncadd.s32 $0xFFFFFFFF  }
0xab: {  	s26 =	simm.s32 $execute0_lowered;
	[smem:$0x3FD2] =	sst s25  }
0xac: {  	s7 =	sshll.u32 s26, $0x1;
	_ =	strace $0x80000046;
	[dreg:$0x1] =	wrdreg $0xFFFFFFFF  }
0xad: {  	s28 =	simm.s32 $_size_execute0_lowered;
	s5 =	sadd.s32 s5, s7;
	[dreg:$0x0] =	wrdreg $0x0  }
0xae: {  	s7 =	sshll.u32 s28, $0x1;
	[dreg:$0x2] =	wrdreg s5  }
0xaf: {  	[dreg:$0x3] =	wrdreg s7  }
0xb0: {  	[dreg:$0x4] =	wrdreg $0xC0  }
0xb1: {  	_ =	task [dreg:s9], $0x5FFFF  }
0xb2: {  	[dreg:$0x1] =	wrdreg $0xFFFFFFFF  }
0xb3: {  	[dreg:$0x0] =	wrdreg $0x60  }
0xb4: {  	[dreg:$0x2] =	wrdreg s16  }
0xb5: {  	[dreg:$0x3] =	wrdreg s24  }
0xb6: {  	[dreg:$0x4] =	wrdreg s15  }
0xb7: {  	[dreg:$0x5] =	wrdreg s17  }
0xb8: {  	[dreg:$0x6] =	wrdreg $0x144100  }
0xb9: {  	[dreg:$0x7] =	wrdreg $0x1E0500  }
0xba: {  	[dreg:$0x8] =	wrdreg $0x9  }
0xbb: {  	_ =	task.clear_ibuf [dreg:s9], $0x9FFFF;
	_ =	strace $0x90000046  }
0xbc: {  	s29 =	simm.s32 $0x9;
	_ =	strace $0x80000048  }
0xbd: {  	_ =	swait.ge [sflag:s29], $0x1  }
0xbe: {  	[sflag:s29] =	ssyncadd.s32 $0xFFFFFFFF  }
0xbf: {  	_ =	strace $0x90000048  }
0xc0: {  	_ =	sfence  }
0xc1: {  	s30 =	sld [smem:$0x0];
	_ =	sdelay $0x2  }
0xc2: {  	s31 =	sshll.u32 s1, $0xD;
	s1 =	sshrl.u32 s1, $0x2  }
0xc3: {  	s3 =	sand.u32 $0x4000, s31;
	s1 =	sadd.s32 s1, s30  }
0xc4: {  	s0 =	sor.u32 s3, s0;
	s1 =	sshll.u32 s1, $0x11  }
0xc5: {  	s0 =	sor.u32 s1, s0  }
0xc6: {  	s0 =	sadd.s32 $0x8F2B, s0  }
0xc7: {  	[sflag:s0] =	ssyncadd.remote.s32 $0x1  }
0xc8: {  	_ =	sfence.sel $0xFFFF  }
0xc9: {  	[dreg:$0x0] =	wrdreg $0xFFFFFFFF;
	(pc) =	sbr.abs _section_cstart, $3  }
0xca: {  	[dreg:$0x1] =	wrdreg $0xFFFFFFFF  }
0xcb: {  	_ =	task.clear_ibuf [dreg:s9], $0x2FFFF;
	_ =	strace $0x9FFFFFFF  }
0xcc: {  	(tm) =	ssettm $0x7FFFFFFF  }
0xcd: {  	_ =	shalt  }
tec
execute0_lowered:
.L_overlay_start_1:
0x0: {  	(tag) =	ssettag $0x1  }
0x1: {  	s0 =	rddreg [dreg:$0x0]  }
0x2: {  	s1 =	rddreg [dreg:$0x1]  }
0x3: {  	s2 =	rddreg [dreg:$0x2]  }
0x4: {  	s6 =	rddreg [dreg:$0x3]  }
0x5: {  	s3 =	rddreg [dreg:$0x4]  }
0x6: {  	s4 =	rddreg [dreg:$0x5];
	s15 =	stileid.u32;
	s5 =	simm.s32 $0x0  }
0x7: {  	s8 =	srdreg.scid;
	s28 =	simm.s32 $0x14028;
	s30 =	simm.s32 $0x7D  }
0x8: {  	s31 =	simm.s32 $0xBF40;
	s29 =	simm.s32 $0x11D00;
	s7 =	smul.u32 $0x5000, s15  }
0x9: {  	[smem:$0x7FF] =	sst s5;
	s8 =	sand.u32 $0x1, s8;
	s10 =	smul.u32 $0x1388, s15  }
0xa: {  	s12 =	sadd.s32 $0xB600, s1;
	s19 =	sadd.s32 $0xBC00, s1;
	s13 =	smul.u32 $0x271, s15  }
0xb: {  	s15 =	smul.u32 $0x9C40, s15;
	_ =	strace $0x80000047;
	[dreg:$0x7] =	wrdreg s12  }
0xc: {  	s20 =	sadd.s32 $0xBA00, s1;
	s18 =	smul.u32 $0x13880, s8;
	[dreg:$0x8] =	wrdreg s19  }
0xd: {  	[dreg:$0x9] =	wrdreg s20;
	s21 =	ssub.s32 $0x2, s8;
	s17 =	smul.u32 $0x50000, s8  }
0xe: {  	s8 =	smul.u32 $0x9C400, s8;
	s9 =	sshrl.u32 s7, $0x3;
	s14 =	sshrl.u32 s21, $0x1  }
0xf: {  	s22 =	sadd.s32 $0x7D, s13;
	s23 =	sadd.s32 $0xFA, s13;
	s26 =	sadd.s32 $0x177, s13  }
0x10: {  	s13 =	sadd.s32 $0x1F4, s13;
	s11 =	sadd.s32 s9, s1;
	s9 =	sadd.s32 s10, s18  }
0x11: {  	s12 =	ssub.s32 s21, s14;
	s10 =	sadd.s32 s10, s4;
	s16 =	sshll.u32 s22, $0x6  }
0x12: {  	s14 =	sshll.u32 s22, $0x3;
	s24 =	sshll.u32 s23, $0x6;
	s25 =	sshll.u32 s23, $0x3  }
0x13: {  	s7 =	sadd.s32 s7, s17;
	s18 =	sshll.u32 s26, $0x6;
	s20 =	sshll.u32 s26, $0x3  }
0x14: {  	s8 =	sadd.s32 s15, s8;
	s21 =	sshll.u32 s13, $0x6;
	s13 =	sshll.u32 s13, $0x3  }
0x15: {  	s17 =	simm.s32 $0x9;
	s9 =	sshrl.u32 s9, $0x3;
	s16 =	sadd.s32 s16, s3  }
0x16: {  	s14 =	sadd.s32 s14, s4;
	s19 =	sadd.s32 s18, s3;
	s22 =	sadd.s32 s21, s3  }
0x17: {  	s13 =	sadd.s32 s13, s4;
	s7 =	sshrl.u32 s7, $0x3;
	[dreg:$0xa] =	wrdreg s16  }
0x18: {  	s8 =	sshrl.u32 s8, $0x3;
	s23 =	sadd.s32 $0x1600, s11;
	[dreg:$0xb] =	wrdreg s14  }
0x19: {  	s26 =	smax.u32 s12, $0x1;
	s11 =	simm.s32 $0x4;
	[dreg:$0xe] =	wrdreg s19  }
0x1a: {  	s12 =	simm.s32 $0x5;
	s18 =	simm.s32 $0xA;
	[dreg:$0x10] =	wrdreg s22  }
0x1b: {  	s1 =	sadd.s32 s9, s1;
	s9 =	sadd.s32 s15, s3;
	[dreg:$0x11] =	wrdreg s13  }
0x1c: {  	s14 =	sadd.s32 s24, s3;
	s0 =	sadd.s32 s0, s7;
	[dreg:$0x13] =	wrdreg s23  }
0x1d: {  	s24 =	sadd.s32 s6, s8;
	[dreg:$0x16] =	wrdreg s26;
	s26 =	simm.s32 $0x13C40  }
0x1e: {  	s6 =	simm.s32 $0x1;
	s7 =	simm.s32 $0x2;
	s8 =	simm.s32 $0x3  }
0x1f: {  	s13 =	simm.s32 $0x6;
	s15 =	simm.s32 $0x7;
	[dreg:$0xc] =	wrdreg s14  }
0x20: {  	s16 =	simm.s32 $0x8;
	s19 =	simm.s32 $0x0;
	[dreg:$0x12] =	wrdreg s0  }
0x21: {  	s14 =	sadd.s32 s25, s4;
	[dreg:$0x14] =	wrdreg s24;
	s25 =	sadd.s32 $0xBE00, s1  }
0x22: {  	s24 =	simm.s32 $0xA000;
	s0 =	simm.s32 $0xDE80;
	[dreg:$0xd] =	wrdreg s14  }
0x23: {  	s1 =	simm.s32 $0xFDC0;
	s14 =	sadd.s32 s20, s4;
	[dreg:$0x15] =	wrdreg s25  }
0x24: {  	s25 =	simm.s32 $0xC;
	[dreg:$0xf] =	wrdreg s14;
	s14 =	simm.s32 $0xB  }
.LBB2_1:
0x25: {  	s20 =	rddreg [dreg:$0x7]  }
0x26: {  	[tilespmem:s24], [sflag:$0xC] =	stream.linear.gather [hbm4b:s20+s5], $0x1F40, $0x38;
	[tilespmem:$0x1F3D8] =	vst v63  }
0x27: {  	_ =	swait.ge [sflag:s25], $0x1F40  }
0x28: {  	[sflag:s25] =	ssyncset.done $0x0  }
0x29: {  	s23 =	rddreg [dreg:$0x8];
	[sflag:s25] =	ssyncadd.s32 $0xFFFFE0C0  }
0x2a: {  	[tilespmem:s26], [sflag:$0xC] =	stream.linear.gather [hbm4b:s23+s5], $0x3E8, $0x38;
	[tilespmem:$0x1F3D8] =	vst v63  }
0x2b: {  	_ =	swait.ge [sflag:s25], $0x3E8  }
0x2c: {  	[sflag:s25] =	ssyncset.done $0x0  }
0x2d: {  	s21 =	rddreg [dreg:$0x9];
	[sflag:s25] =	ssyncadd.s32 $0xFFFFFC18  }
0x2e: {  	[tilespmem:s28], [sflag:$0xC] =	stream.linear.gather [hbm4b:s21+s5], $0x3E8, $0x38;
	[tilespmem:$0x1F3D8] =	vst v63  }
0x2f: {  	_ =	swait.ge [sflag:s25], $0x3E8  }
0x30: {  	[sflag:s25] =	ssyncset.done $0x0  }
0x31: {  	[sflag:s25] =	ssyncadd.s32 $0xFFFFFC18  }
0x32: {  	[spmem:s9] =	stream.linear.scatter [tilespmem:s24], [sflag:$0xC], $0x1F40, $0x38;
	[tilespmem:$0x1F3D8] =	vst v63  }
0x33: {  	_ =	swait.ge [sflag:s25], $0x1F40  }
0x34: {  	[sflag:s25] =	ssyncset.done $0x0  }
0x35: {  	[sflag:s25] =	ssyncadd.s32 $0xFFFFE0C0  }
0x36: {  	[spmem:s10] =	stream.linear.scatter [tilespmem:s26], [sflag:$0xC], $0x3E8, $0x38;
	[tilespmem:$0x1F3D8] =	vst v63  }
0x37: {  	_ =	swait.ge [sflag:s25], $0x3E8  }
0x38: {  	[sflag:s25] =	ssyncset.done $0x0  }
0x39: {  	s22 =	rddreg [dreg:$0xa];
	[sflag:s25] =	ssyncadd.s32 $0xFFFFFC18  }
0x3a: {  	[spmem:s22] =	stream.linear.scatter [tilespmem:s24], [sflag:$0xC], $0x1F40, $0x38;
	[tilespmem:$0x1F3D8] =	vst v63  }
0x3b: {  	_ =	swait.ge [sflag:s25], $0x1F40  }
0x3c: {  	[sflag:s25] =	ssyncset.done $0x0  }
0x3d: {  	s23 =	rddreg [dreg:$0xb];
	[sflag:s25] =	ssyncadd.s32 $0xFFFFE0C0  }
0x3e: {  	[spmem:s23] =	stream.linear.scatter [tilespmem:s26], [sflag:$0xC], $0x3E8, $0x38;
	[tilespmem:$0x1F3D8] =	vst v63  }
0x3f: {  	_ =	swait.ge [sflag:s25], $0x3E8  }
0x40: {  	[sflag:s25] =	ssyncset.done $0x0  }
0x41: {  	s21 =	rddreg [dreg:$0xc];
	[sflag:s25] =	ssyncadd.s32 $0xFFFFFC18  }
0x42: {  	[spmem:s21] =	stream.linear.scatter [tilespmem:s24], [sflag:$0xC], $0x1F40, $0x38;
	[tilespmem:$0x1F3D8] =	vst v63  }
0x43: {  	_ =	swait.ge [sflag:s25], $0x1F40  }
0x44: {  	[sflag:s25] =	ssyncset.done $0x0  }
0x45: {  	s22 =	rddreg [dreg:$0xd];
	[sflag:s25] =	ssyncadd.s32 $0xFFFFE0C0  }
0x46: {  	[spmem:s22] =	stream.linear.scatter [tilespmem:s26], [sflag:$0xC], $0x3E8, $0x38;
	[tilespmem:$0x1F3D8] =	vst v63  }
0x47: {  	_ =	swait.ge [sflag:s25], $0x3E8  }
0x48: {  	[sflag:s25] =	ssyncset.done $0x0  }
0x49: {  	s23 =	rddreg [dreg:$0xe];
	[sflag:s25] =	ssyncadd.s32 $0xFFFFFC18  }
0x4a: {  	[spmem:s23] =	stream.linear.scatter [tilespmem:s24], [sflag:$0xC], $0x1F40, $0x38;
	[tilespmem:$0x1F3D8] =	vst v63  }
0x4b: {  	_ =	swait.ge [sflag:s25], $0x1F40  }
0x4c: {  	[sflag:s25] =	ssyncset.done $0x0  }
0x4d: {  	s21 =	rddreg [dreg:$0xf];
	[sflag:s25] =	ssyncadd.s32 $0xFFFFE0C0  }
0x4e: {  	[spmem:s21] =	stream.linear.scatter [tilespmem:s26], [sflag:$0xC], $0x3E8, $0x38;
	[tilespmem:$0x1F3D8] =	vst v63  }
0x4f: {  	_ =	swait.ge [sflag:s25], $0x3E8  }
0x50: {  	[sflag:s25] =	ssyncset.done $0x0  }
0x51: {  	s22 =	rddreg [dreg:$0x10];
	[sflag:s25] =	ssyncadd.s32 $0xFFFFFC18  }
0x52: {  	[spmem:s22] =	stream.linear.scatter [tilespmem:s24], [sflag:$0xC], $0x1F40, $0x38;
	[tilespmem:$0x1F3D8] =	vst v63  }
0x53: {  	_ =	swait.ge [sflag:s25], $0x1F40  }
0x54: {  	[sflag:s25] =	ssyncset.done $0x0  }
0x55: {  	s23 =	rddreg [dreg:$0x11];
	[sflag:s25] =	ssyncadd.s32 $0xFFFFE0C0  }
0x56: {  	[spmem:s23] =	stream.linear.scatter [tilespmem:s26], [sflag:$0xC], $0x3E8, $0x38;
	[tilespmem:$0x1F3D8] =	vst v63  }
0x57: {  	_ =	swait.ge [sflag:s25], $0x3E8  }
0x58: {  	[sflag:s25] =	ssyncset.done $0x0  }
0x59: {  	s21 =	rddreg [dreg:$0x12];
	[sflag:s25] =	ssyncadd.s32 $0xFFFFFC18  }
0x5a: {  	[tilespmem:s5], [sflag:$0xC] =	stream.linear.gather [hbm4b:s21+s5], $0x5000, $0x38;
	[tilespmem:$0x1F3D8] =	vst v63  }
0x5b: {  	_ =	swait.ge [sflag:s25], $0x5000  }
0x5c: {  	[sflag:s25] =	ssyncset.done $0x0  }
0x5d: {  	s21 =	simm.s32 $0x5000;
	s22 =	rddreg [dreg:$0x13];
	[sflag:s25] =	ssyncadd.s32 $0xFFFFB000  }
0x5e: {  	[tilespmem:s21], [sflag:$0xC] =	stream.linear.gather [hbm4b:s22+s5], $0x5000, $0x38;
	[tilespmem:$0x1F3D8] =	vst v63  }
0x5f: {  	_ =	swait.ge [sflag:s25], $0x5000  }
0x60: {  	[sflag:s25] =	ssyncset.done $0x0  }
0x61: {  	[sflag:s25] =	ssyncadd.s32 $0xFFFFB000  }
0x62: {  	s23 =	simm.s32 $0x0;
	[bflag:$0x0] =	sbarrier.arrive $0xFFFF  }
0x63: {  	[tilespmem:s24], [sflag:$0x1] =	stream.indirect.gather [hbm4b:s2+s30], $0x40, s23, s30, $0xb8;
	[tilespmem:$0x1F3D8] =	vst v63  }
0x64: {  	s21 =	simm.s32 $0x80  }
0x65: {  	[tilespmem:s31], [sflag:$0x2] =	stream.indirect.gather [hbm4b:s2+s30], $0x40, s21, s30, $0xb8;
	[tilespmem:$0x1F3D8] =	vst v63  }
0x66: {  	s22 =	simm.s32 $0x100  }
0x67: {  	[tilespmem:s0], [sflag:$0x3] =	stream.indirect.gather [hbm4b:s2+s30], $0x40, s22, s30, $0xb8;
	[tilespmem:$0x1F3D8] =	vst v63  }
0x68: {  	s23 =	simm.s32 $0x180  }
0x69: {  	[tilespmem:s1], [sflag:$0x4] =	stream.indirect.gather [hbm4b:s2+s30], $0x40, s23, s30, $0xb8;
	[tilespmem:$0x1F3D8] =	vst v63  }
0x6a: {  	s21 =	simm.s32 $0x200  }
0x6b: {  	[tilespmem:s29], [sflag:$0x5] =	stream.indirect.gather [hbm4b:s2+s30], $0x40, s21, s30, $0xb8;
	[tilespmem:$0x1F3D8] =	vst v63  }
0x6c: {  	_ =	swait.ge [sflag:s6], $0x1F40  }
0x6d: {  	[sflag:s6] =	ssyncset.done $0x0  }
0x6e: {  	s22 =	simm.s32 $0x5000;
	[sflag:s6] =	ssyncadd.s32 $0xFFFFE0C0  }
0x6f: {  	[spmem:s3] =	stream.indirect.scatter.add.f32 [tilespmem:s24], [sflag:$0x6], $0x40, s22, s30, $0xb8;
	[tilespmem:$0x1F3D8] =	vst v63  }
0x70: {  	_ = 	snop  }
0x71: {  	[spmem:s4] =	stream.indirect.scatter.add.f32 [tilespmem:s28], [sflag:$0xB], $0x8, s22, s30, $0xb8;
	[tilespmem:$0x1F3D8] =	vst v63  }
0x72: {  	_ =	swait.ge [sflag:s7], $0x1F40  }
0x73: {  	[sflag:s7] =	ssyncset.done $0x0  }
0x74: {  	s23 =	simm.s32 $0x5080;
	[sflag:s7] =	ssyncadd.s32 $0xFFFFE0C0  }
0x75: {  	[spmem:s3] =	stream.indirect.scatter.add.f32 [tilespmem:s31], [sflag:$0x7], $0x40, s23, s30, $0xb8;
	[tilespmem:$0x1F3D8] =	vst v63  }
0x76: {  	_ = 	snop  }
0x77: {  	[spmem:s4] =	stream.indirect.scatter.add.f32 [tilespmem:s28], [sflag:$0xB], $0x8, s23, s30, $0xb8;
	[tilespmem:$0x1F3D8] =	vst v63  }
0x78: {  	_ =	swait.ge [sflag:s8], $0x1F40  }
0x79: {  	[sflag:s8] =	ssyncset.done $0x0  }
0x7a: {  	s21 =	simm.s32 $0x5100;
	[sflag:s8] =	ssyncadd.s32 $0xFFFFE0C0  }
0x7b: {  	[spmem:s3] =	stream.indirect.scatter.add.f32 [tilespmem:s0], [sflag:$0x8], $0x40, s21, s30, $0xb8;
	[tilespmem:$0x1F3D8] =	vst v63  }
0x7c: {  	_ = 	snop  }
0x7d: {  	[spmem:s4] =	stream.indirect.scatter.add.f32 [tilespmem:s28], [sflag:$0xB], $0x8, s21, s30, $0xb8;
	[tilespmem:$0x1F3D8] =	vst v63  }
0x7e: {  	_ =	swait.ge [sflag:s11], $0x1F40  }
0x7f: {  	[sflag:s11] =	ssyncset.done $0x0  }
0x80: {  	s22 =	simm.s32 $0x5180;
	[sflag:s11] =	ssyncadd.s32 $0xFFFFE0C0  }
0x81: {  	[spmem:s3] =	stream.indirect.scatter.add.f32 [tilespmem:s1], [sflag:$0x9], $0x40, s22, s30, $0xb8;
	[tilespmem:$0x1F3D8] =	vst v63  }
0x82: {  	_ = 	snop  }
0x83: {  	[spmem:s4] =	stream.indirect.scatter.add.f32 [tilespmem:s28], [sflag:$0xB], $0x8, s22, s30, $0xb8;
	[tilespmem:$0x1F3D8] =	vst v63  }
0x84: {  	_ =	swait.ge [sflag:s12], $0x1F40  }
0x85: {  	[sflag:s12] =	ssyncset.done $0x0  }
0x86: {  	s23 =	simm.s32 $0x5200;
	[sflag:s12] =	ssyncadd.s32 $0xFFFFE0C0  }
0x87: {  	[spmem:s3] =	stream.indirect.scatter.add.f32 [tilespmem:s29], [sflag:$0xA], $0x40, s23, s30, $0xb8;
	[tilespmem:$0x1F3D8] =	vst v63  }
0x88: {  	_ = 	snop  }
0x89: {  	[spmem:s4] =	stream.indirect.scatter.add.f32 [tilespmem:s28], [sflag:$0xB], $0x8, s23, s30, $0xb8;
	[tilespmem:$0x1F3D8] =	vst v63  }
0x8a: {  	_ =	swait.ge [sflag:s13], $0x1F40  }
0x8b: {  	[sflag:s13] =	ssyncset.done $0x0  }
0x8c: {  	[sflag:s13] =	ssyncadd.s32 $0xFFFFE0C0  }
0x8d: {  	_ =	swait.ge [sflag:s14], $0x3E8  }
0x8e: {  	[sflag:s14] =	ssyncset.done $0x0  }
0x8f: {  	[sflag:s14] =	ssyncadd.s32 $0xFFFFFC18  }
0x90: {  	_ =	swait.ge [sflag:s15], $0x1F40  }
0x91: {  	[sflag:s15] =	ssyncset.done $0x0  }
0x92: {  	[sflag:s15] =	ssyncadd.s32 $0xFFFFE0C0  }
0x93: {  	_ =	swait.ge [sflag:s14], $0x3E8  }
0x94: {  	[sflag:s14] =	ssyncset.done $0x0  }
0x95: {  	[sflag:s14] =	ssyncadd.s32 $0xFFFFFC18  }
0x96: {  	_ =	swait.ge [sflag:s16], $0x1F40  }
0x97: {  	[sflag:s16] =	ssyncset.done $0x0  }
0x98: {  	[sflag:s16] =	ssyncadd.s32 $0xFFFFE0C0  }
0x99: {  	_ =	swait.ge [sflag:s14], $0x3E8  }
0x9a: {  	[sflag:s14] =	ssyncset.done $0x0  }
0x9b: {  	[sflag:s14] =	ssyncadd.s32 $0xFFFFFC18  }
0x9c: {  	_ =	swait.ge [sflag:s17], $0x1F40  }
0x9d: {  	[sflag:s17] =	ssyncset.done $0x0  }
0x9e: {  	[sflag:s17] =	ssyncadd.s32 $0xFFFFE0C0  }
0x9f: {  	_ =	swait.ge [sflag:s14], $0x3E8  }
0xa0: {  	[sflag:s14] =	ssyncset.done $0x0  }
0xa1: {  	[sflag:s14] =	ssyncadd.s32 $0xFFFFFC18  }
0xa2: {  	_ =	swait.ge [sflag:s18], $0x1F40  }
0xa3: {  	[sflag:s18] =	ssyncset.done $0x0  }
0xa4: {  	[sflag:s18] =	ssyncadd.s32 $0xFFFFE0C0  }
0xa5: {  	_ =	swait.ge [sflag:s14], $0x3E8  }
0xa6: {  	s20 =	simm.s32 $0xA00;
	s21 =	simm.s32 $0x1400;
	[sflag:s14] =	ssyncset.done $0x0  }
.LBB2_2:
0xa7: {  	s22 =	sshra.s32 s20, $0x2  }
0xa8: {  	[sflag:s14] =	ssyncadd.s32 $0xFFFFFC18;
	s20 =	smov.u32 s21;
	s23 =	sadd.s32 $0xA00, s21  }
0xa9: {  	[tilespmem:s24], [sflag:$0x1] =	stream.indirect.gather [hbm4b:s2+s30], $0x40, s22, s30, $0xb8;
	[tilespmem:$0x1F3D8] =	vst v63  }
0xaa: {  	p0 =	sne.s32 s21, $0x13600;
	s21 =	sadd.s32 $0x80, s22  }
0xab: {  	[tilespmem:s31], [sflag:$0x2] =	stream.indirect.gather [hbm4b:s2+s30], $0x40, s21, s30, $0xb8;
	[tilespmem:$0x1F3D8] =	vst v63  }
0xac: {  	s21 =	sadd.s32 $0x100, s22  }
0xad: {  	[tilespmem:s0], [sflag:$0x3] =	stream.indirect.gather [hbm4b:s2+s30], $0x40, s21, s30, $0xb8;
	[tilespmem:$0x1F3D8] =	vst v63  }
0xae: {  	s21 =	sadd.s32 $0x180, s22  }
0xaf: {  	[tilespmem:s1], [sflag:$0x4] =	stream.indirect.gather [hbm4b:s2+s30], $0x40, s21, s30, $0xb8;
	[tilespmem:$0x1F3D8] =	vst v63  }
0xb0: {  	s21 =	sadd.s32 $0x200, s22  }
0xb1: {  	[tilespmem:s29], [sflag:$0x5] =	stream.indirect.gather [hbm4b:s2+s30], $0x40, s21, s30, $0xb8;
	[tilespmem:$0x1F3D8] =	vst v63  }
0xb2: {  	_ =	swait.ge [sflag:s6], $0x1F40  }
0xb3: {  	[sflag:s6] =	ssyncset.done $0x0  }
0xb4: {  	s21 =	sadd.s32 $0x5000, s22;
	[sflag:s6] =	ssyncadd.s32 $0xFFFFE0C0  }
0xb5: {  	[spmem:s3] =	stream.indirect.scatter.add.f32 [tilespmem:s24], [sflag:$0x6], $0x40, s21, s30, $0xb8;
	[tilespmem:$0x1F3D8] =	vst v63  }
0xb6: {  	_ = 	snop  }
0xb7: {  	[spmem:s4] =	stream.indirect.scatter.add.f32 [tilespmem:s28], [sflag:$0xB], $0x8, s21, s30, $0xb8;
	[tilespmem:$0x1F3D8] =	vst v63  }
0xb8: {  	_ =	swait.ge [sflag:s7], $0x1F40  }
0xb9: {  	[sflag:s7] =	ssyncset.done $0x0  }
0xba: {  	s21 =	sadd.s32 $0x5080, s22;
	[sflag:s7] =	ssyncadd.s32 $0xFFFFE0C0  }
0xbb: {  	[spmem:s3] =	stream.indirect.scatter.add.f32 [tilespmem:s31], [sflag:$0x7], $0x40, s21, s30, $0xb8;
	[tilespmem:$0x1F3D8] =	vst v63  }
0xbc: {  	_ = 	snop  }
0xbd: {  	[spmem:s4] =	stream.indirect.scatter.add.f32 [tilespmem:s28], [sflag:$0xB], $0x8, s21, s30, $0xb8;
	[tilespmem:$0x1F3D8] =	vst v63  }
0xbe: {  	_ =	swait.ge [sflag:s8], $0x1F40  }
0xbf: {  	[sflag:s8] =	ssyncset.done $0x0  }
0xc0: {  	s21 =	sadd.s32 $0x5100, s22;
	[sflag:s8] =	ssyncadd.s32 $0xFFFFE0C0  }
0xc1: {  	[spmem:s3] =	stream.indirect.scatter.add.f32 [tilespmem:s0], [sflag:$0x8], $0x40, s21, s30, $0xb8;
	[tilespmem:$0x1F3D8] =	vst v63  }
0xc2: {  	_ = 	snop  }
0xc3: {  	[spmem:s4] =	stream.indirect.scatter.add.f32 [tilespmem:s28], [sflag:$0xB], $0x8, s21, s30, $0xb8;
	[tilespmem:$0x1F3D8] =	vst v63  }
0xc4: {  	_ =	swait.ge [sflag:s11], $0x1F40  }
0xc5: {  	[sflag:s11] =	ssyncset.done $0x0  }
0xc6: {  	s21 =	sadd.s32 $0x5180, s22;
	[sflag:s11] =	ssyncadd.s32 $0xFFFFE0C0  }
0xc7: {  	[spmem:s3] =	stream.indirect.scatter.add.f32 [tilespmem:s1], [sflag:$0x9], $0x40, s21, s30, $0xb8;
	[tilespmem:$0x1F3D8] =	vst v63  }
0xc8: {  	_ = 	snop  }
0xc9: {  	[spmem:s4] =	stream.indirect.scatter.add.f32 [tilespmem:s28], [sflag:$0xB], $0x8, s21, s30, $0xb8;
	[tilespmem:$0x1F3D8] =	vst v63  }
0xca: {  	_ =	swait.ge [sflag:s12], $0x1F40  }
0xcb: {  	[sflag:s12] =	ssyncset.done $0x0  }
0xcc: {  	s21 =	sadd.s32 $0x5200, s22;
	[sflag:s12] =	ssyncadd.s32 $0xFFFFE0C0  }
0xcd: {  	[spmem:s3] =	stream.indirect.scatter.add.f32 [tilespmem:s29], [sflag:$0xA], $0x40, s21, s30, $0xb8;
	[tilespmem:$0x1F3D8] =	vst v63  }
0xce: {  	_ = 	snop  }
0xcf: {  	[spmem:s4] =	stream.indirect.scatter.add.f32 [tilespmem:s28], [sflag:$0xB], $0x8, s21, s30, $0xb8;
	[tilespmem:$0x1F3D8] =	vst v63  }
0xd0: {  	_ =	swait.ge [sflag:s13], $0x1F40  }
0xd1: {  	[sflag:s13] =	ssyncset.done $0x0  }
0xd2: {  	[sflag:s13] =	ssyncadd.s32 $0xFFFFE0C0  }
0xd3: {  	_ =	swait.ge [sflag:s14], $0x3E8  }
0xd4: {  	[sflag:s14] =	ssyncset.done $0x0  }
0xd5: {  	[sflag:s14] =	ssyncadd.s32 $0xFFFFFC18  }
0xd6: {  	_ =	swait.ge [sflag:s15], $0x1F40  }
0xd7: {  	[sflag:s15] =	ssyncset.done $0x0  }
0xd8: {  	[sflag:s15] =	ssyncadd.s32 $0xFFFFE0C0  }
0xd9: {  	_ =	swait.ge [sflag:s14], $0x3E8  }
0xda: {  	[sflag:s14] =	ssyncset.done $0x0  }
0xdb: {  	[sflag:s14] =	ssyncadd.s32 $0xFFFFFC18  }
0xdc: {  	_ =	swait.ge [sflag:s16], $0x1F40  }
0xdd: {  	[sflag:s16] =	ssyncset.done $0x0  }
0xde: {  	[sflag:s16] =	ssyncadd.s32 $0xFFFFE0C0  }
0xdf: {  	_ =	swait.ge [sflag:s14], $0x3E8  }
0xe0: {  	[sflag:s14] =	ssyncset.done $0x0  }
0xe1: {  	[sflag:s14] =	ssyncadd.s32 $0xFFFFFC18  }
0xe2: {  	_ =	swait.ge [sflag:s17], $0x1F40  }
0xe3: {  	[sflag:s17] =	ssyncset.done $0x0  }
0xe4: {  	[sflag:s17] =	ssyncadd.s32 $0xFFFFE0C0  }
0xe5: {  	_ =	swait.ge [sflag:s14], $0x3E8  }
0xe6: {  	[sflag:s14] =	ssyncset.done $0x0  }
0xe7: {  	[sflag:s14] =	ssyncadd.s32 $0xFFFFFC18  }
.Ltmp0:
0xe8: {  	_ =	swait.ge [sflag:s18], $0x1F40;
	(pc) =	sbr.rel @p0 .LBB2_2-.Ltmp0, $4  }
0xe9: {  	[sflag:s18] =	ssyncset.done $0x0  }
0xea: {  	[sflag:s18] =	ssyncadd.s32 $0xFFFFE0C0  }
0xeb: {  	_ =	swait.ge [sflag:s14], $0x3E8  }
0xec: {  	s21 =	smov.u32 s23;
	[sflag:s14] =	ssyncset.done $0x0  }
0xed: {  	s20 =	sshra.s32 s20, $0x2;
	[sflag:s14] =	ssyncadd.s32 $0xFFFFFC18  }
0xee: {  	[tilespmem:s24], [sflag:$0x1] =	stream.indirect.gather [hbm4b:s2+s30], $0x40, s20, s30, $0xb8;
	[tilespmem:$0x1F3D8] =	vst v63  }
0xef: {  	s21 =	sadd.s32 $0x80, s20  }
0xf0: {  	[tilespmem:s31], [sflag:$0x2] =	stream.indirect.gather [hbm4b:s2+s30], $0x40, s21, s30, $0xb8;
	[tilespmem:$0x1F3D8] =	vst v63  }
0xf1: {  	s23 =	sadd.s32 $0x100, s20  }
0xf2: {  	[tilespmem:s0], [sflag:$0x3] =	stream.indirect.gather [hbm4b:s2+s30], $0x40, s23, s30, $0xb8;
	[tilespmem:$0x1F3D8] =	vst v63  }
0xf3: {  	s22 =	sadd.s32 $0x180, s20  }
0xf4: {  	[tilespmem:s1], [sflag:$0x4] =	stream.indirect.gather [hbm4b:s2+s30], $0x40, s22, s30, $0xb8;
	[tilespmem:$0x1F3D8] =	vst v63  }
0xf5: {  	s23 =	sadd.s32 $0x200, s20  }
0xf6: {  	[tilespmem:s29], [sflag:$0x5] =	stream.indirect.gather [hbm4b:s2+s30], $0x40, s23, s30, $0xb8;
	[tilespmem:$0x1F3D8] =	vst v63  }
0xf7: {  	_ =	swait.ge [sflag:s6], $0x1F40  }
0xf8: {  	[sflag:s6] =	ssyncset.done $0x0  }
0xf9: {  	s22 =	sadd.s32 $0x5000, s20;
	[sflag:s6] =	ssyncadd.s32 $0xFFFFE0C0  }
0xfa: {  	[spmem:s3] =	stream.indirect.scatter.add.f32 [tilespmem:s24], [sflag:$0x6], $0x40, s22, s30, $0xb8;
	[tilespmem:$0x1F3D8] =	vst v63  }
0xfb: {  	_ = 	snop  }
0xfc: {  	[spmem:s4] =	stream.indirect.scatter.add.f32 [tilespmem:s28], [sflag:$0xB], $0x8, s22, s30, $0xb8;
	[tilespmem:$0x1F3D8] =	vst v63  }
0xfd: {  	_ =	swait.ge [sflag:s7], $0x1F40  }
0xfe: {  	[sflag:s7] =	ssyncset.done $0x0  }
0xff: {  	s23 =	sadd.s32 $0x5080, s20;
	[sflag:s7] =	ssyncadd.s32 $0xFFFFE0C0  }
0x100: {  	[spmem:s3] =	stream.indirect.scatter.add.f32 [tilespmem:s31], [sflag:$0x7], $0x40, s23, s30, $0xb8;
	[tilespmem:$0x1F3D8] =	vst v63  }
0x101: {  	_ = 	snop  }
0x102: {  	[spmem:s4] =	stream.indirect.scatter.add.f32 [tilespmem:s28], [sflag:$0xB], $0x8, s23, s30, $0xb8;
	[tilespmem:$0x1F3D8] =	vst v63  }
0x103: {  	_ =	swait.ge [sflag:s8], $0x1F40  }
0x104: {  	[sflag:s8] =	ssyncset.done $0x0  }
0x105: {  	s22 =	sadd.s32 $0x5100, s20;
	[sflag:s8] =	ssyncadd.s32 $0xFFFFE0C0  }
0x106: {  	[spmem:s3] =	stream.indirect.scatter.add.f32 [tilespmem:s0], [sflag:$0x8], $0x40, s22, s30, $0xb8;
	[tilespmem:$0x1F3D8] =	vst v63  }
0x107: {  	_ = 	snop  }
0x108: {  	[spmem:s4] =	stream.indirect.scatter.add.f32 [tilespmem:s28], [sflag:$0xB], $0x8, s22, s30, $0xb8;
	[tilespmem:$0x1F3D8] =	vst v63  }
0x109: {  	_ =	swait.ge [sflag:s11], $0x1F40  }
0x10a: {  	[sflag:s11] =	ssyncset.done $0x0  }
0x10b: {  	s23 =	sadd.s32 $0x5180, s20;
	[sflag:s11] =	ssyncadd.s32 $0xFFFFE0C0  }
0x10c: {  	[spmem:s3] =	stream.indirect.scatter.add.f32 [tilespmem:s1], [sflag:$0x9], $0x40, s23, s30, $0xb8;
	[tilespmem:$0x1F3D8] =	vst v63  }
0x10d: {  	_ = 	snop  }
0x10e: {  	[spmem:s4] =	stream.indirect.scatter.add.f32 [tilespmem:s28], [sflag:$0xB], $0x8, s23, s30, $0xb8;
	[tilespmem:$0x1F3D8] =	vst v63  }
0x10f: {  	_ =	swait.ge [sflag:s12], $0x1F40  }
0x110: {  	[sflag:s12] =	ssyncset.done $0x0  }
0x111: {  	s20 =	sadd.s32 $0x5200, s20;
	[sflag:s12] =	ssyncadd.s32 $0xFFFFE0C0  }
0x112: {  	[spmem:s3] =	stream.indirect.scatter.add.f32 [tilespmem:s29], [sflag:$0xA], $0x40, s20, s30, $0xb8;
	[tilespmem:$0x1F3D8] =	vst v63  }
0x113: {  	_ = 	snop  }
0x114: {  	[spmem:s4] =	stream.indirect.scatter.add.f32 [tilespmem:s28], [sflag:$0xB], $0x8, s20, s30, $0xb8;
	[tilespmem:$0x1F3D8] =	vst v63  }
0x115: {  	_ =	swait.ge [sflag:s13], $0x1F40  }
0x116: {  	[sflag:s13] =	ssyncset.done $0x0  }
0x117: {  	[sflag:s13] =	ssyncadd.s32 $0xFFFFE0C0  }
0x118: {  	_ =	swait.ge [sflag:s14], $0x3E8  }
0x119: {  	[sflag:s14] =	ssyncset.done $0x0  }
0x11a: {  	[sflag:s14] =	ssyncadd.s32 $0xFFFFFC18  }
0x11b: {  	_ =	swait.ge [sflag:s15], $0x1F40  }
0x11c: {  	[sflag:s15] =	ssyncset.done $0x0  }
0x11d: {  	[sflag:s15] =	ssyncadd.s32 $0xFFFFE0C0  }
0x11e: {  	_ =	swait.ge [sflag:s14], $0x3E8  }
0x11f: {  	[sflag:s14] =	ssyncset.done $0x0  }
0x120: {  	[sflag:s14] =	ssyncadd.s32 $0xFFFFFC18  }
0x121: {  	_ =	swait.ge [sflag:s16], $0x1F40  }
0x122: {  	[sflag:s16] =	ssyncset.done $0x0  }
0x123: {  	[sflag:s16] =	ssyncadd.s32 $0xFFFFE0C0  }
0x124: {  	_ =	swait.ge [sflag:s14], $0x3E8  }
0x125: {  	[sflag:s14] =	ssyncset.done $0x0  }
0x126: {  	[sflag:s14] =	ssyncadd.s32 $0xFFFFFC18  }
0x127: {  	_ =	swait.ge [sflag:s17], $0x1F40  }
0x128: {  	[sflag:s17] =	ssyncset.done $0x0  }
0x129: {  	[sflag:s17] =	ssyncadd.s32 $0xFFFFE0C0  }
0x12a: {  	_ =	swait.ge [sflag:s14], $0x3E8  }
0x12b: {  	[sflag:s14] =	ssyncset.done $0x0  }
0x12c: {  	[sflag:s14] =	ssyncadd.s32 $0xFFFFFC18  }
0x12d: {  	_ =	swait.ge [sflag:s18], $0x1F40  }
0x12e: {  	[sflag:s18] =	ssyncset.done $0x0  }
0x12f: {  	[sflag:s18] =	ssyncadd.s32 $0xFFFFE0C0  }
0x130: {  	_ =	swait.ge [sflag:s14], $0x3E8  }
0x131: {  	[sflag:s14] =	ssyncset.done $0x0  }
0x132: {  	s22 =	stileid.u32;
	[sflag:s14] =	ssyncadd.s32 $0xFFFFFC18  }
0x133: {  	s20 =	sshll.u32 s22, $0x6;
	[bflag:$0x0] =	sbarrier.arrive $0xFFFF  }
0x134: {  	s23 =	sshrl.u32 s9, $0x3;
	s20 =	sor.u32 $0x1C0C, s20;
	s22 =	rddreg [dreg:$0x14]  }
0x135: {  	[hbm:s22], [sflag:s20] =	dma.local [spmem:s23], $0x1388  }
0x136: {  	_ =	swait.ge [sflag:s25], $0x1388  }
0x137: {  	[sflag:s25] =	ssyncset.done $0x0  }
0x138: {  	s22 =	sshrl.u32 s10, $0x3;
	s23 =	rddreg [dreg:$0x15];
	[sflag:s25] =	ssyncadd.s32 $0xFFFFEC78  }
0x139: {  	[hbm:s23], [sflag:s20] =	dma.local [spmem:s22], $0x271  }
0x13a: {  	_ =	swait.ge [sflag:s25], $0x271  }
0x13b: {  	s19 =	sadd.s32 $0x1, s19;
	s23 =	rddreg [dreg:$0x16]  }
0x13c: {  	p0 =	sne.s32 s19, s23  }
.Ltmp1:
0x13d: {  	_ = 	snop;
	(pc) =	sbr.rel @p0 .LBB2_1-.Ltmp1, $3  }
0x13e: {  	_ =	sdelay $0x1  }
0x13f: {  	[sflag:s25] =	ssyncset.done $0x0  }
0x140: {  	[sflag:s25] =	ssyncadd.s32 $0xFFFFFD8F  }
0x141: {  	_ =	sfence.sel $0x180000  }
0x142: {  	[bflag:$0x0] =	sbarrier.arrive $0xFFFF  }
0x143: {  	_ =	strace $0x90000047  }
0x144: {  	s0 =	stileid.u32;
	[bflag:$0x2] =	sbarrier.arrive $0xFFFF  }
0x145: {  	p0 =	sne.s32 s0, $0x0;
	s0 =	rddreg [dreg:$0x6]  }
0x146: {  	s0 =	sadd.s32 @!p0 $0x100000, s0  }
0x147: {  	[sflag:s0] =	ssyncadd.tile.s32 @!p0 $0x1;
	_ =	shalt  }
.Lfunc_end2:
_tile_overlayer_lowered:
.L_overlay_start_2:
0x148: {  	(tag) =	ssettag $0x2  }
0x149: {  	s0 =	rddreg [dreg:$0x0];
	s2 =	stileid.u32  }
0x14a: {  	s1 =	rddreg [dreg:$0x1];
	p0 =	sne.s32 s2, $0x0  }
0x14b: {  	s3 =	rddreg [dreg:$0x2];
	[bflag:$0x3] =	sbarrier.arrive $0xFFFF;
	s2 =	simm.s32 @!p0 $0x1C0C  }
0x14c: {  	[timem:s3], [sflag:s2] =	dma.local @!p0 [hbm:s0], s1  }
0x14d: {  	s0 =	simm.s32 @!p0 $0xC  }
0x14e: {  	_ =	swait.ge @!p0 [sflag:s0], s1  }
0x14f: {  	s1 =	ssub.s32 @!p0 $0x0, s1;
	[sflag:s0] =	ssyncset.done @!p0 $0x0  }
0x150: {  	[sflag:s0] =	ssyncadd.s32 @!p0 s1  }
0x151: {  	[bflag:$0x3] =	sbarrier.arrive $0xFFFF  }
0x152: {  	_ =	shalt  }

</sc_bundles>
